<compile_context>
chip_gen: v7x
topology: tpu7x:2x2x1
jax: 0.10.2.dev20260603
libtpu: 0.0.44.dev20260713+nightly
codegen_flags: <defaults>
</compile_context>

<pallas_src>
import functools

import jax
import jax.numpy as jnp
from jax import lax
from jax.experimental import pallas as pl
from jax.experimental.pallas import tpu as pltpu
from jax.experimental.pallas import tpu_sc as plsc

_NUM_CORES = 2
_NUM_SUBCORES = 16
_NUM_WORKERS = _NUM_CORES * _NUM_SUBCORES
_NBUF = 4


def _gather_body(n_chunks, chunk, table_hbm, idx_hbm, out_hbm,
                 idx_v, rows_v, gsem, wsem):
    wid = lax.axis_index("s") * _NUM_CORES + lax.axis_index("c")
    base = wid * (n_chunks * chunk)

    def load_idx(j, b):
        pltpu.sync_copy(idx_hbm.at[pl.ds(base + j * chunk, chunk)],
                        idx_v.at[b])

    def fire_gather(b):
        pltpu.async_copy(table_hbm.at[idx_v.at[b]], rows_v.at[b],
                         gsem.at[b])

    def wait_gather(b):
        pltpu.make_async_copy(table_hbm.at[idx_v.at[b]], rows_v.at[b],
                              gsem.at[b]).wait()

    def fire_wb(j, b):
        pltpu.async_copy(rows_v.at[b],
                         out_hbm.at[pl.ds(base + j * chunk, chunk),
                                    pl.ds(0, rows_v.shape[2])], wsem.at[b])

    def wait_wb(j, b):
        pltpu.make_async_copy(rows_v.at[b],
                              out_hbm.at[pl.ds(base + j * chunk, chunk),
                                         pl.ds(0, rows_v.shape[2])],
                              wsem.at[b]).wait()

    load_idx(0, 0)
    fire_gather(0)
    load_idx(1, 1)
    fire_gather(1)

    for j in range(4):
        b, bn = j % _NBUF, (j + 2) % _NBUF
        wait_gather(b)
        fire_wb(j, b)
        if j >= 2:
            wait_wb(j - 2, bn)
        load_idx(j + 2, bn)
        fire_gather(bn)

    def step(jo, carry):
        j0 = jo * _NBUF
        for b in range(_NBUF):
            j = j0 + b
            bn = (b + 2) % _NBUF
            wait_gather(b)
            fire_wb(j, b)
            wait_wb(j - 2, bn)
            load_idx(j + 2, bn)
            fire_gather(bn)
        return carry

    lax.fori_loop(1, n_chunks // _NBUF - 1, step, 0)

    for j in range(n_chunks - 4, n_chunks):
        b = j % _NBUF
        wait_gather(b)
        fire_wb(j, b)
        if j + 2 < n_chunks:
            bn = (b + 2) % _NBUF
            wait_wb(j - 2, bn)
            load_idx(j + 2, bn)
            fire_gather(bn)
    for j in range(n_chunks - 4, n_chunks):
        wait_wb(j, j % _NBUF)


@functools.partial(jax.jit, static_argnames=("n_rows", "chunk"))
def _sc_embedding_lookup(idx_flat, table, *, n_rows, chunk):
    width = table.shape[1]
    per_worker = n_rows // _NUM_WORKERS
    n_chunks = per_worker // chunk
    mesh = plsc.VectorSubcoreMesh(
        core_axis_name="c", subcore_axis_name="s",
        num_cores=_NUM_CORES, num_subcores=_NUM_SUBCORES)
    body = functools.partial(_gather_body, n_chunks, chunk)
    return pl.kernel(
        body,
        out_type=jax.ShapeDtypeStruct((n_rows, 128), jnp.float32),
        mesh=mesh,
        scratch_types=[
            pltpu.VMEM((_NBUF, chunk), jnp.int32),
            pltpu.VMEM((_NBUF, chunk, width), jnp.float32),
            pltpu.SemaphoreType.DMA((_NBUF,)),
            pltpu.SemaphoreType.DMA((_NBUF,)),
        ],
        compiler_params=pltpu.CompilerParams(use_tc_tiling_on_sc=False),
    )(table, idx_flat)


def kernel(inputs, embeddings):
    n_rows = inputs.shape[0] * inputs.shape[1]
    width = embeddings.shape[1]
    idx_flat = jnp.reshape(inputs, (n_rows,)).astype(jnp.int32)
    out = _sc_embedding_lookup(idx_flat, embeddings, n_rows=n_rows,
                               chunk=400)
    return jnp.reshape(out[:, :width], inputs.shape + (width,))

# --- scband reference (transcript-rebuilt; emitter-appended) ---
"""Pipeline reference for scband-on-device-embedding-5514738008796 (READ-ONLY COPY).

The authoritative reference and input builder live on the scoring server;
editing this copy changes nothing except your own understanding.
"""

import jax, jax.numpy as jnp
import numpy as np

VOCAB_SIZE = 1000000
EMBEDDING_WIDTH = 64

def setup_inputs(seed: int = 0) -> dict:
    key = jax.random.key(seed)
    k1, k2 = jax.random.split(key)
    inputs = jax.random.randint(k1, (4096, 200), 0, VOCAB_SIZE, dtype=jnp.int64 if jax.config.jax_enable_x64 else jnp.int32)
    # glorot_uniform init for embeddings table [vocab, width]
    limit = float(np.sqrt(6.0 / (VOCAB_SIZE + EMBEDDING_WIDTH)))
    embeddings = jax.random.uniform(k2, (VOCAB_SIZE, EMBEDDING_WIDTH), dtype=jnp.float32, minval=-limit, maxval=limit)
    return {"inputs": inputs, "embeddings": embeddings}

def reference(inputs, embeddings):
    # OnDeviceEmbedding.call with use_one_hot=False, scale_factor=None
    flat_inputs = jnp.reshape(inputs, (-1,))
    emb = jnp.take(embeddings, flat_inputs, axis=0)
    out = jnp.reshape(emb, inputs.shape + (embeddings.shape[1],))
    return out

if __name__ == "__main__":
    import jax
    _d = setup_inputs()
    print(jax.jit(kernel)(*tuple(_d.values())))

</pallas_src>

<mosaic_0001>
#map = affine_map<(d0, d1) -> (0, 0)>
#map1 = affine_map<(d0, d1) -> (0)>
module attributes {stable_mosaic.version = 14 : i64} {
  func.func @_gather_body(%arg0: i32, %arg1: i32, %arg2: memref<1000000x64xf32, #tpu.memory_space<hbm>>, %arg3: memref<819200xi32, #tpu.memory_space<hbm>>, %arg4: memref<819200x128xf32, #tpu.memory_space<hbm>>, %arg5: memref<4x400xi32, #tpu.memory_space<vmem>>, %arg6: memref<4x400x64xf32, #tpu.memory_space<vmem>>, %arg7: memref<4x!tpu.dma_semaphore, #tpu.memory_space<semaphore_mem>>, %arg8: memref<4x!tpu.dma_semaphore, #tpu.memory_space<semaphore_mem>>) attributes {dimension_semantics = [#tpu.dimension_semantics<core_parallel>, #tpu.dimension_semantics<subcore_parallel>], iteration_bounds = array<i64: 2, 16>, scalar_prefetch = 0 : i64, scratch_operands = 4 : i64, tpu.core_type = #tpu.core_type<sc_vector_subcore>, window_params = [{transform_indices = #map}, {transform_indices = #map1}, {transform_indices = #map}]} {
    %mul3A = arith.constant 2 : i32
    %mul3A_0 = arith.muli %arg1, %mul3A : i32
    %add3A = arith.addi %mul3A_0, %arg0 : i32
    %mul3A_1 = arith.constant 25600 : i32
    %mul3A_2 = arith.muli %add3A, %mul3A_1 : i32
    %add3A_3 = arith.constant 0 : i32
    %add3A_4 = arith.addi %mul3A_2, %add3A_3 : i32
    %run_scoped3A = arith.constant 0 : i32
    "tpu.region"() ({
      %run_scoped3A_557 = tpu.sem_alloc : memref<!tpu.dma_semaphore, #tpu.memory_space<semaphore_mem>>
      %dma_start3A_558 = arith.constant 0 : i32
      %dma_start3A_559 = tpu.memref_slice %arg5[%run_scoped3A, %dma_start3A_558] : memref<4x400xi32, #tpu.memory_space<vmem>> -> memref<1x400xi32, #tpu.memory_space<vmem>>
      %dma_start3A_560 = tpu.memref_squeeze %dma_start3A_559 : memref<1x400xi32, #tpu.memory_space<vmem>> -> memref<400xi32, #tpu.memory_space<vmem>>
      %dma_start3A_561 = tpu.memref_slice %arg3[%add3A_4] : memref<819200xi32, #tpu.memory_space<hbm>> -> memref<400xi32, #tpu.memory_space<hbm>>
      %dma_start3A_562 = arith.constant 0 : i32
      %dma_start3A_563 = tpu.memref_slice %arg5[%run_scoped3A, %dma_start3A_562] : memref<4x400xi32, #tpu.memory_space<vmem>> -> memref<1x400xi32, #tpu.memory_space<vmem>>
      %dma_start3A_564 = tpu.memref_squeeze %dma_start3A_563 : memref<1x400xi32, #tpu.memory_space<vmem>> -> memref<400xi32, #tpu.memory_space<vmem>>
      %dma_start3A_565 = tpu.memref_slice %arg3[%add3A_4] : memref<819200xi32, #tpu.memory_space<hbm>> -> memref<400xi32, #tpu.memory_space<hbm>>
      tpu.enqueue_dma source(%dma_start3A_565 : memref<400xi32, #tpu.memory_space<hbm>>) target(%dma_start3A_564 : memref<400xi32, #tpu.memory_space<vmem>>) target_semaphore(%run_scoped3A_557 : memref<!tpu.dma_semaphore, #tpu.memory_space<semaphore_mem>>)
      %dma_wait3A_566 = arith.constant 0 : i32
      %dma_wait3A_567 = tpu.memref_slice %arg5[%run_scoped3A, %dma_wait3A_566] : memref<4x400xi32, #tpu.memory_space<vmem>> -> memref<1x400xi32, #tpu.memory_space<vmem>>
      %dma_wait3A_568 = tpu.memref_squeeze %dma_wait3A_567 : memref<1x400xi32, #tpu.memory_space<vmem>> -> memref<400xi32, #tpu.memory_space<vmem>>
      %dma_wait3A_569 = tpu.memref_slice %arg3[%add3A_4] : memref<819200xi32, #tpu.memory_space<hbm>> -> memref<400xi32, #tpu.memory_space<hbm>>
      %dma_wait3A_570 = arith.constant 0 : i32
      %dma_wait3A_571 = tpu.memref_slice %arg5[%run_scoped3A, %dma_wait3A_570] : memref<4x400xi32, #tpu.memory_space<vmem>> -> memref<1x400xi32, #tpu.memory_space<vmem>>
      %dma_wait3A_572 = tpu.memref_squeeze %dma_wait3A_571 : memref<1x400xi32, #tpu.memory_space<vmem>> -> memref<400xi32, #tpu.memory_space<vmem>>
      %dma_wait3A_573 = tpu.memref_slice %arg3[%add3A_4] : memref<819200xi32, #tpu.memory_space<hbm>> -> memref<400xi32, #tpu.memory_space<hbm>>
      tpu.wait_dma2 semaphore(%run_scoped3A_557 : memref<!tpu.dma_semaphore, #tpu.memory_space<semaphore_mem>>) src(%dma_wait3A_573 : memref<400xi32, #tpu.memory_space<hbm>>) dst(%dma_wait3A_572 : memref<400xi32, #tpu.memory_space<vmem>>)
      tpu.yield
    }) : () -> ()
    %dma_start3A = arith.constant 0 : i32
    %dma_start3A_5 = arith.constant 0 : i32
    %dma_start3A_6 = arith.constant 0 : i32
    %dma_start3A_7 = arith.constant 0 : i32
    %dma_start3A_8 = arith.constant 0 : i32
    %dma_start3A_9 = tpu.memref_slice %arg6[%dma_start3A_5, %dma_start3A_7, %dma_start3A_8] : memref<4x400x64xf32, #tpu.memory_space<vmem>> -> memref<1x400x64xf32, #tpu.memory_space<vmem>>
    %dma_start3A_10 = tpu.memref_squeeze %dma_start3A_9 : memref<1x400x64xf32, #tpu.memory_space<vmem>> -> memref<400x64xf32, #tpu.memory_space<vmem>>
    %dma_start3A_11 = arith.constant 0 : i32
    %dma_start3A_12 = tpu.memref_slice %arg5[%dma_start3A, %dma_start3A_11] : memref<4x400xi32, #tpu.memory_space<vmem>> -> memref<1x400xi32, #tpu.memory_space<vmem>>
    %dma_start3A_13 = tpu.memref_squeeze %dma_start3A_12 : memref<1x400xi32, #tpu.memory_space<vmem>> -> memref<400xi32, #tpu.memory_space<vmem>>
    %dma_start3A_14 = arith.constant 0 : i32
    %dma_start3A_15 = arith.constant 0 : i32
    %dma_start3A_16 = tpu.memref_slice %arg2[%dma_start3A_14, %dma_start3A_15] : memref<1000000x64xf32, #tpu.memory_space<hbm>> -> memref<1000000x64xf32, #tpu.memory_space<hbm>>
    %dma_start3A_17 = tpu.memref_slice %arg7[%dma_start3A_6] : memref<4x!tpu.dma_semaphore, #tpu.memory_space<semaphore_mem>> -> memref<1x!tpu.dma_semaphore, #tpu.memory_space<semaphore_mem>>
    %dma_start3A_18 = tpu.memref_squeeze %dma_start3A_17 : memref<1x!tpu.dma_semaphore, #tpu.memory_space<semaphore_mem>> -> memref<!tpu.dma_semaphore, #tpu.memory_space<semaphore_mem>>
    tpu.enqueue_indirect_dma source(%dma_start3A_16 : memref<1000000x64xf32, #tpu.memory_space<hbm>>) target(%dma_start3A_10 : memref<400x64xf32, #tpu.memory_space<vmem>>) offsets(%dma_start3A_13 : memref<400xi32, #tpu.memory_space<vmem>>) semaphore(%dma_start3A_18 : memref<!tpu.dma_semaphore, #tpu.memory_space<semaphore_mem>>)
    %add3A_19 = arith.constant 400 : i32
    %add3A_20 = arith.addi %mul3A_2, %add3A_19 : i32
    %run_scoped3A_21 = arith.constant 1 : i32
    "tpu.region"() ({
      %run_scoped3A_557 = tpu.sem_alloc : memref<!tpu.dma_semaphore, #tpu.memory_space<semaphore_mem>>
      %dma_start3A_558 = arith.constant 0 : i32
      %dma_start3A_559 = tpu.memref_slice %arg5[%run_scoped3A_21, %dma_start3A_558] : memref<4x400xi32, #tpu.memory_space<vmem>> -> memref<1x400xi32, #tpu.memory_space<vmem>>
      %dma_start3A_560 = tpu.memref_squeeze %dma_start3A_559 : memref<1x400xi32, #tpu.memory_space<vmem>> -> memref<400xi32, #tpu.memory_space<vmem>>
      %dma_start3A_561 = tpu.memref_slice %arg3[%add3A_20] : memref<819200xi32, #tpu.memory_space<hbm>> -> memref<400xi32, #tpu.memory_space<hbm>>
      %dma_start3A_562 = arith.constant 0 : i32
      %dma_start3A_563 = tpu.memref_slice %arg5[%run_scoped3A_21, %dma_start3A_562] : memref<4x400xi32, #tpu.memory_space<vmem>> -> memref<1x400xi32, #tpu.memory_space<vmem>>
      %dma_start3A_564 = tpu.memref_squeeze %dma_start3A_563 : memref<1x400xi32, #tpu.memory_space<vmem>> -> memref<400xi32, #tpu.memory_space<vmem>>
      %dma_start3A_565 = tpu.memref_slice %arg3[%add3A_20] : memref<819200xi32, #tpu.memory_space<hbm>> -> memref<400xi32, #tpu.memory_space<hbm>>
      tpu.enqueue_dma source(%dma_start3A_565 : memref<400xi32, #tpu.memory_space<hbm>>) target(%dma_start3A_564 : memref<400xi32, #tpu.memory_space<vmem>>) target_semaphore(%run_scoped3A_557 : memref<!tpu.dma_semaphore, #tpu.memory_space<semaphore_mem>>)
      %dma_wait3A_566 = arith.constant 0 : i32
      %dma_wait3A_567 = tpu.memref_slice %arg5[%run_scoped3A_21, %dma_wait3A_566] : memref<4x400xi32, #tpu.memory_space<vmem>> -> memref<1x400xi32, #tpu.memory_space<vmem>>
      %dma_wait3A_568 = tpu.memref_squeeze %dma_wait3A_567 : memref<1x400xi32, #tpu.memory_space<vmem>> -> memref<400xi32, #tpu.memory_space<vmem>>
      %dma_wait3A_569 = tpu.memref_slice %arg3[%add3A_20] : memref<819200xi32, #tpu.memory_space<hbm>> -> memref<400xi32, #tpu.memory_space<hbm>>
      %dma_wait3A_570 = arith.constant 0 : i32
      %dma_wait3A_571 = tpu.memref_slice %arg5[%run_scoped3A_21, %dma_wait3A_570] : memref<4x400xi32, #tpu.memory_space<vmem>> -> memref<1x400xi32, #tpu.memory_space<vmem>>
      %dma_wait3A_572 = tpu.memref_squeeze %dma_wait3A_571 : memref<1x400xi32, #tpu.memory_space<vmem>> -> memref<400xi32, #tpu.memory_space<vmem>>
      %dma_wait3A_573 = tpu.memref_slice %arg3[%add3A_20] : memref<819200xi32, #tpu.memory_space<hbm>> -> memref<400xi32, #tpu.memory_space<hbm>>
      tpu.wait_dma2 semaphore(%run_scoped3A_557 : memref<!tpu.dma_semaphore, #tpu.memory_space<semaphore_mem>>) src(%dma_wait3A_573 : memref<400xi32, #tpu.memory_space<hbm>>) dst(%dma_wait3A_572 : memref<400xi32, #tpu.memory_space<vmem>>)
      tpu.yield
    }) : () -> ()
    %dma_start3A_22 = arith.constant 1 : i32
    %dma_start3A_23 = arith.constant 1 : i32
    %dma_start3A_24 = arith.constant 1 : i32
    %dma_start3A_25 = arith.constant 0 : i32
    %dma_start3A_26 = arith.constant 0 : i32
    %dma_start3A_27 = tpu.memref_slice %arg6[%dma_start3A_23, %dma_start3A_25, %dma_start3A_26] : memref<4x400x64xf32, #tpu.memory_space<vmem>> -> memref<1x400x64xf32, #tpu.memory_space<vmem>>
    %dma_start3A_28 = tpu.memref_squeeze %dma_start3A_27 : memref<1x400x64xf32, #tpu.memory_space<vmem>> -> memref<400x64xf32, #tpu.memory_space<vmem>>
    %dma_start3A_29 = arith.constant 0 : i32
    %dma_start3A_30 = tpu.memref_slice %arg5[%dma_start3A_22, %dma_start3A_29] : memref<4x400xi32, #tpu.memory_space<vmem>> -> memref<1x400xi32, #tpu.memory_space<vmem>>
    %dma_start3A_31 = tpu.memref_squeeze %dma_start3A_30 : memref<1x400xi32, #tpu.memory_space<vmem>> -> memref<400xi32, #tpu.memory_space<vmem>>
    %dma_start3A_32 = arith.constant 0 : i32
    %dma_start3A_33 = arith.constant 0 : i32
    %dma_start3A_34 = tpu.memref_slice %arg2[%dma_start3A_32, %dma_start3A_33] : memref<1000000x64xf32, #tpu.memory_space<hbm>> -> memref<1000000x64xf32, #tpu.memory_space<hbm>>
    %dma_start3A_35 = tpu.memref_slice %arg7[%dma_start3A_24] : memref<4x!tpu.dma_semaphore, #tpu.memory_space<semaphore_mem>> -> memref<1x!tpu.dma_semaphore, #tpu.memory_space<semaphore_mem>>
    %dma_start3A_36 = tpu.memref_squeeze %dma_start3A_35 : memref<1x!tpu.dma_semaphore, #tpu.memory_space<semaphore_mem>> -> memref<!tpu.dma_semaphore, #tpu.memory_space<semaphore_mem>>
    tpu.enqueue_indirect_dma source(%dma_start3A_34 : memref<1000000x64xf32, #tpu.memory_space<hbm>>) target(%dma_start3A_28 : memref<400x64xf32, #tpu.memory_space<vmem>>) offsets(%dma_start3A_31 : memref<400xi32, #tpu.memory_space<vmem>>) semaphore(%dma_start3A_36 : memref<!tpu.dma_semaphore, #tpu.memory_space<semaphore_mem>>)
    %dma_wait3A = arith.constant 0 : i32
    %dma_wait3A_37 = arith.constant 0 : i32
    %dma_wait3A_38 = arith.constant 0 : i32
    %dma_wait3A_39 = arith.constant 0 : i32
    %dma_wait3A_40 = arith.constant 0 : i32
    %dma_wait3A_41 = tpu.memref_slice %arg6[%dma_wait3A_37, %dma_wait3A_39, %dma_wait3A_40] : memref<4x400x64xf32, #tpu.memory_space<vmem>> -> memref<1x400x64xf32, #tpu.memory_space<vmem>>
    %dma_wait3A_42 = tpu.memref_squeeze %dma_wait3A_41 : memref<1x400x64xf32, #tpu.memory_space<vmem>> -> memref<400x64xf32, #tpu.memory_space<vmem>>
    %dma_wait3A_43 = arith.constant 0 : i32
    %dma_wait3A_44 = tpu.memref_slice %arg5[%dma_wait3A, %dma_wait3A_43] : memref<4x400xi32, #tpu.memory_space<vmem>> -> memref<1x400xi32, #tpu.memory_space<vmem>>
    %dma_wait3A_45 = tpu.memref_squeeze %dma_wait3A_44 : memref<1x400xi32, #tpu.memory_space<vmem>> -> memref<400xi32, #tpu.memory_space<vmem>>
    %dma_wait3A_46 = arith.constant 0 : i32
    %dma_wait3A_47 = arith.constant 0 : i32
    %dma_wait3A_48 = tpu.memref_slice %arg2[%dma_wait3A_46, %dma_wait3A_47] : memref<1000000x64xf32, #tpu.memory_space<hbm>> -> memref<1000000x64xf32, #tpu.memory_space<hbm>>
    %dma_wait3A_49 = tpu.memref_slice %arg7[%dma_wait3A_38] : memref<4x!tpu.dma_semaphore, #tpu.memory_space<semaphore_mem>> -> memref<1x!tpu.dma_semaphore, #tpu.memory_space<semaphore_mem>>
    %dma_wait3A_50 = tpu.memref_squeeze %dma_wait3A_49 : memref<1x!tpu.dma_semaphore, #tpu.memory_space<semaphore_mem>> -> memref<!tpu.dma_semaphore, #tpu.memory_space<semaphore_mem>>
    tpu.wait_indirect_dma semaphore(%dma_wait3A_50 : memref<!tpu.dma_semaphore, #tpu.memory_space<semaphore_mem>>) src(%dma_wait3A_48 : memref<1000000x64xf32, #tpu.memory_space<hbm>>) dst(%dma_wait3A_42 : memref<400x64xf32, #tpu.memory_space<vmem>>)
    %add3A_51 = arith.constant 0 : i32
    %add3A_52 = arith.addi %mul3A_2, %add3A_51 : i32
    %dma_start3A_53 = arith.constant 0 : i32
    %dma_start3A_54 = arith.constant 0 : i32
    %dma_start3A_55 = arith.constant 0 : i32
    %dma_start3A_56 = arith.constant 0 : i32
    %dma_start3A_57 = tpu.memref_slice %arg6[%dma_start3A_53, %dma_start3A_55, %dma_start3A_56] : memref<4x400x64xf32, #tpu.memory_space<vmem>> -> memref<1x400x64xf32, #tpu.memory_space<vmem>>
    %dma_start3A_58 = tpu.memref_squeeze %dma_start3A_57 : memref<1x400x64xf32, #tpu.memory_space<vmem>> -> memref<400x64xf32, #tpu.memory_space<vmem>>
    %dma_start3A_59 = arith.constant 0 : i32
    %dma_start3A_60 = tpu.memref_slice %arg4[%add3A_52, %dma_start3A_59] : memref<819200x128xf32, #tpu.memory_space<hbm>> -> memref<400x64xf32, #tpu.memory_space<hbm>>
    %dma_start3A_61 = tpu.memref_slice %arg8[%dma_start3A_54] : memref<4x!tpu.dma_semaphore, #tpu.memory_space<semaphore_mem>> -> memref<1x!tpu.dma_semaphore, #tpu.memory_space<semaphore_mem>>
    %dma_start3A_62 = tpu.memref_squeeze %dma_start3A_61 : memref<1x!tpu.dma_semaphore, #tpu.memory_space<semaphore_mem>> -> memref<!tpu.dma_semaphore, #tpu.memory_space<semaphore_mem>>
    %dma_start3A_63 = arith.constant 0 : i32
    %dma_start3A_64 = tpu.memref_slice %arg4[%add3A_52, %dma_start3A_63] : memref<819200x128xf32, #tpu.memory_space<hbm>> -> memref<400x64xf32, #tpu.memory_space<hbm>>
    %dma_start3A_65 = arith.constant 0 : i32
    %dma_start3A_66 = arith.constant 0 : i32
    %dma_start3A_67 = tpu.memref_slice %arg6[%dma_start3A_53, %dma_start3A_65, %dma_start3A_66] : memref<4x400x64xf32, #tpu.memory_space<vmem>> -> memref<1x400x64xf32, #tpu.memory_space<vmem>>
    %dma_start3A_68 = tpu.memref_squeeze %dma_start3A_67 : memref<1x400x64xf32, #tpu.memory_space<vmem>> -> memref<400x64xf32, #tpu.memory_space<vmem>>
    tpu.enqueue_dma source(%dma_start3A_68 : memref<400x64xf32, #tpu.memory_space<vmem>>) target(%dma_start3A_64 : memref<400x64xf32, #tpu.memory_space<hbm>>) target_semaphore(%dma_start3A_62 : memref<!tpu.dma_semaphore, #tpu.memory_space<semaphore_mem>>)
    %add3A_69 = arith.constant 800 : i32
    %add3A_70 = arith.addi %mul3A_2, %add3A_69 : i32
    %run_scoped3A_71 = arith.constant 2 : i32
    "tpu.region"() ({
      %run_scoped3A_557 = tpu.sem_alloc : memref<!tpu.dma_semaphore, #tpu.memory_space<semaphore_mem>>
      %dma_start3A_558 = arith.constant 0 : i32
      %dma_start3A_559 = tpu.memref_slice %arg5[%run_scoped3A_71, %dma_start3A_558] : memref<4x400xi32, #tpu.memory_space<vmem>> -> memref<1x400xi32, #tpu.memory_space<vmem>>
      %dma_start3A_560 = tpu.memref_squeeze %dma_start3A_559 : memref<1x400xi32, #tpu.memory_space<vmem>> -> memref<400xi32, #tpu.memory_space<vmem>>
      %dma_start3A_561 = tpu.memref_slice %arg3[%add3A_70] : memref<819200xi32, #tpu.memory_space<hbm>> -> memref<400xi32, #tpu.memory_space<hbm>>
      %dma_start3A_562 = arith.constant 0 : i32
      %dma_start3A_563 = tpu.memref_slice %arg5[%run_scoped3A_71, %dma_start3A_562] : memref<4x400xi32, #tpu.memory_space<vmem>> -> memref<1x400xi32, #tpu.memory_space<vmem>>
      %dma_start3A_564 = tpu.memref_squeeze %dma_start3A_563 : memref<1x400xi32, #tpu.memory_space<vmem>> -> memref<400xi32, #tpu.memory_space<vmem>>
      %dma_start3A_565 = tpu.memref_slice %arg3[%add3A_70] : memref<819200xi32, #tpu.memory_space<hbm>> -> memref<400xi32, #tpu.memory_space<hbm>>
      tpu.enqueue_dma source(%dma_start3A_565 : memref<400xi32, #tpu.memory_space<hbm>>) target(%dma_start3A_564 : memref<400xi32, #tpu.memory_space<vmem>>) target_semaphore(%run_scoped3A_557 : memref<!tpu.dma_semaphore, #tpu.memory_space<semaphore_mem>>)
      %dma_wait3A_566 = arith.constant 0 : i32
      %dma_wait3A_567 = tpu.memref_slice %arg5[%run_scoped3A_71, %dma_wait3A_566] : memref<4x400xi32, #tpu.memory_space<vmem>> -> memref<1x400xi32, #tpu.memory_space<vmem>>
      %dma_wait3A_568 = tpu.memref_squeeze %dma_wait3A_567 : memref<1x400xi32, #tpu.memory_space<vmem>> -> memref<400xi32, #tpu.memory_space<vmem>>
      %dma_wait3A_569 = tpu.memref_slice %arg3[%add3A_70] : memref<819200xi32, #tpu.memory_space<hbm>> -> memref<400xi32, #tpu.memory_space<hbm>>
      %dma_wait3A_570 = arith.constant 0 : i32
      %dma_wait3A_571 = tpu.memref_slice %arg5[%run_scoped3A_71, %dma_wait3A_570] : memref<4x400xi32, #tpu.memory_space<vmem>> -> memref<1x400xi32, #tpu.memory_space<vmem>>
      %dma_wait3A_572 = tpu.memref_squeeze %dma_wait3A_571 : memref<1x400xi32, #tpu.memory_space<vmem>> -> memref<400xi32, #tpu.memory_space<vmem>>
      %dma_wait3A_573 = tpu.memref_slice %arg3[%add3A_70] : memref<819200xi32, #tpu.memory_space<hbm>> -> memref<400xi32, #tpu.memory_space<hbm>>
      tpu.wait_dma2 semaphore(%run_scoped3A_557 : memref<!tpu.dma_semaphore, #tpu.memory_space<semaphore_mem>>) src(%dma_wait3A_573 : memref<400xi32, #tpu.memory_space<hbm>>) dst(%dma_wait3A_572 : memref<400xi32, #tpu.memory_space<vmem>>)
      tpu.yield
    }) : () -> ()
    %dma_start3A_72 = arith.constant 2 : i32
    %dma_start3A_73 = arith.constant 2 : i32
    %dma_start3A_74 = arith.constant 2 : i32
    %dma_start3A_75 = arith.constant 0 : i32
    %dma_start3A_76 = arith.constant 0 : i32
    %dma_start3A_77 = tpu.memref_slice %arg6[%dma_start3A_73, %dma_start3A_75, %dma_start3A_76] : memref<4x400x64xf32, #tpu.memory_space<vmem>> -> memref<1x400x64xf32, #tpu.memory_space<vmem>>
    %dma_start3A_78 = tpu.memref_squeeze %dma_start3A_77 : memref<1x400x64xf32, #tpu.memory_space<vmem>> -> memref<400x64xf32, #tpu.memory_space<vmem>>
    %dma_start3A_79 = arith.constant 0 : i32
    %dma_start3A_80 = tpu.memref_slice %arg5[%dma_start3A_72, %dma_start3A_79] : memref<4x400xi32, #tpu.memory_space<vmem>> -> memref<1x400xi32, #tpu.memory_space<vmem>>
    %dma_start3A_81 = tpu.memref_squeeze %dma_start3A_80 : memref<1x400xi32, #tpu.memory_space<vmem>> -> memref<400xi32, #tpu.memory_space<vmem>>
    %dma_start3A_82 = arith.constant 0 : i32
    %dma_start3A_83 = arith.constant 0 : i32
    %dma_start3A_84 = tpu.memref_slice %arg2[%dma_start3A_82, %dma_start3A_83] : memref<1000000x64xf32, #tpu.memory_space<hbm>> -> memref<1000000x64xf32, #tpu.memory_space<hbm>>
    %dma_start3A_85 = tpu.memref_slice %arg7[%dma_start3A_74] : memref<4x!tpu.dma_semaphore, #tpu.memory_space<semaphore_mem>> -> memref<1x!tpu.dma_semaphore, #tpu.memory_space<semaphore_mem>>
    %dma_start3A_86 = tpu.memref_squeeze %dma_start3A_85 : memref<1x!tpu.dma_semaphore, #tpu.memory_space<semaphore_mem>> -> memref<!tpu.dma_semaphore, #tpu.memory_space<semaphore_mem>>
    tpu.enqueue_indirect_dma source(%dma_start3A_84 : memref<1000000x64xf32, #tpu.memory_space<hbm>>) target(%dma_start3A_78 : memref<400x64xf32, #tpu.memory_space<vmem>>) offsets(%dma_start3A_81 : memref<400xi32, #tpu.memory_space<vmem>>) semaphore(%dma_start3A_86 : memref<!tpu.dma_semaphore, #tpu.memory_space<semaphore_mem>>)
    %dma_wait3A_87 = arith.constant 1 : i32
    %dma_wait3A_88 = arith.constant 1 : i32
    %dma_wait3A_89 = arith.constant 1 : i32
    %dma_wait3A_90 = arith.constant 0 : i32
    %dma_wait3A_91 = arith.constant 0 : i32
    %dma_wait3A_92 = tpu.memref_slice %arg6[%dma_wait3A_88, %dma_wait3A_90, %dma_wait3A_91] : memref<4x400x64xf32, #tpu.memory_space<vmem>> -> memref<1x400x64xf32, #tpu.memory_space<vmem>>
    %dma_wait3A_93 = tpu.memref_squeeze %dma_wait3A_92 : memref<1x400x64xf32, #tpu.memory_space<vmem>> -> memref<400x64xf32, #tpu.memory_space<vmem>>
    %dma_wait3A_94 = arith.constant 0 : i32
    %dma_wait3A_95 = tpu.memref_slice %arg5[%dma_wait3A_87, %dma_wait3A_94] : memref<4x400xi32, #tpu.memory_space<vmem>> -> memref<1x400xi32, #tpu.memory_space<vmem>>
    %dma_wait3A_96 = tpu.memref_squeeze %dma_wait3A_95 : memref<1x400xi32, #tpu.memory_space<vmem>> -> memref<400xi32, #tpu.memory_space<vmem>>
    %dma_wait3A_97 = arith.constant 0 : i32
    %dma_wait3A_98 = arith.constant 0 : i32
    %dma_wait3A_99 = tpu.memref_slice %arg2[%dma_wait3A_97, %dma_wait3A_98] : memref<1000000x64xf32, #tpu.memory_space<hbm>> -> memref<1000000x64xf32, #tpu.memory_space<hbm>>
    %dma_wait3A_100 = tpu.memref_slice %arg7[%dma_wait3A_89] : memref<4x!tpu.dma_semaphore, #tpu.memory_space<semaphore_mem>> -> memref<1x!tpu.dma_semaphore, #tpu.memory_space<semaphore_mem>>
    %dma_wait3A_101 = tpu.memref_squeeze %dma_wait3A_100 : memref<1x!tpu.dma_semaphore, #tpu.memory_space<semaphore_mem>> -> memref<!tpu.dma_semaphore, #tpu.memory_space<semaphore_mem>>
    tpu.wait_indirect_dma semaphore(%dma_wait3A_101 : memref<!tpu.dma_semaphore, #tpu.memory_space<semaphore_mem>>) src(%dma_wait3A_99 : memref<1000000x64xf32, #tpu.memory_space<hbm>>) dst(%dma_wait3A_93 : memref<400x64xf32, #tpu.memory_space<vmem>>)
    %add3A_102 = arith.constant 400 : i32
    %add3A_103 = arith.addi %mul3A_2, %add3A_102 : i32
    %dma_start3A_104 = arith.constant 1 : i32
    %dma_start3A_105 = arith.constant 1 : i32
    %dma_start3A_106 = arith.constant 0 : i32
    %dma_start3A_107 = arith.constant 0 : i32
    %dma_start3A_108 = tpu.memref_slice %arg6[%dma_start3A_104, %dma_start3A_106, %dma_start3A_107] : memref<4x400x64xf32, #tpu.memory_space<vmem>> -> memref<1x400x64xf32, #tpu.memory_space<vmem>>
    %dma_start3A_109 = tpu.memref_squeeze %dma_start3A_108 : memref<1x400x64xf32, #tpu.memory_space<vmem>> -> memref<400x64xf32, #tpu.memory_space<vmem>>
    %dma_start3A_110 = arith.constant 0 : i32
    %dma_start3A_111 = tpu.memref_slice %arg4[%add3A_103, %dma_start3A_110] : memref<819200x128xf32, #tpu.memory_space<hbm>> -> memref<400x64xf32, #tpu.memory_space<hbm>>
    %dma_start3A_112 = tpu.memref_slice %arg8[%dma_start3A_105] : memref<4x!tpu.dma_semaphore, #tpu.memory_space<semaphore_mem>> -> memref<1x!tpu.dma_semaphore, #tpu.memory_space<semaphore_mem>>
    %dma_start3A_113 = tpu.memref_squeeze %dma_start3A_112 : memref<1x!tpu.dma_semaphore, #tpu.memory_space<semaphore_mem>> -> memref<!tpu.dma_semaphore, #tpu.memory_space<semaphore_mem>>
    %dma_start3A_114 = arith.constant 0 : i32
    %dma_start3A_115 = tpu.memref_slice %arg4[%add3A_103, %dma_start3A_114] : memref<819200x128xf32, #tpu.memory_space<hbm>> -> memref<400x64xf32, #tpu.memory_space<hbm>>
    %dma_start3A_116 = arith.constant 0 : i32
    %dma_start3A_117 = arith.constant 0 : i32
    %dma_start3A_118 = tpu.memref_slice %arg6[%dma_start3A_104, %dma_start3A_116, %dma_start3A_117] : memref<4x400x64xf32, #tpu.memory_space<vmem>> -> memref<1x400x64xf32, #tpu.memory_space<vmem>>
    %dma_start3A_119 = tpu.memref_squeeze %dma_start3A_118 : memref<1x400x64xf32, #tpu.memory_space<vmem>> -> memref<400x64xf32, #tpu.memory_space<vmem>>
    tpu.enqueue_dma source(%dma_start3A_119 : memref<400x64xf32, #tpu.memory_space<vmem>>) target(%dma_start3A_115 : memref<400x64xf32, #tpu.memory_space<hbm>>) target_semaphore(%dma_start3A_113 : memref<!tpu.dma_semaphore, #tpu.memory_space<semaphore_mem>>)
    %add3A_120 = arith.constant 1200 : i32
    %add3A_121 = arith.addi %mul3A_2, %add3A_120 : i32
    %run_scoped3A_122 = arith.constant 3 : i32
    "tpu.region"() ({
      %run_scoped3A_557 = tpu.sem_alloc : memref<!tpu.dma_semaphore, #tpu.memory_space<semaphore_mem>>
      %dma_start3A_558 = arith.constant 0 : i32
      %dma_start3A_559 = tpu.memref_slice %arg5[%run_scoped3A_122, %dma_start3A_558] : memref<4x400xi32, #tpu.memory_space<vmem>> -> memref<1x400xi32, #tpu.memory_space<vmem>>
      %dma_start3A_560 = tpu.memref_squeeze %dma_start3A_559 : memref<1x400xi32, #tpu.memory_space<vmem>> -> memref<400xi32, #tpu.memory_space<vmem>>
      %dma_start3A_561 = tpu.memref_slice %arg3[%add3A_121] : memref<819200xi32, #tpu.memory_space<hbm>> -> memref<400xi32, #tpu.memory_space<hbm>>
      %dma_start3A_562 = arith.constant 0 : i32
      %dma_start3A_563 = tpu.memref_slice %arg5[%run_scoped3A_122, %dma_start3A_562] : memref<4x400xi32, #tpu.memory_space<vmem>> -> memref<1x400xi32, #tpu.memory_space<vmem>>
      %dma_start3A_564 = tpu.memref_squeeze %dma_start3A_563 : memref<1x400xi32, #tpu.memory_space<vmem>> -> memref<400xi32, #tpu.memory_space<vmem>>
      %dma_start3A_565 = tpu.memref_slice %arg3[%add3A_121] : memref<819200xi32, #tpu.memory_space<hbm>> -> memref<400xi32, #tpu.memory_space<hbm>>
      tpu.enqueue_dma source(%dma_start3A_565 : memref<400xi32, #tpu.memory_space<hbm>>) target(%dma_start3A_564 : memref<400xi32, #tpu.memory_space<vmem>>) target_semaphore(%run_scoped3A_557 : memref<!tpu.dma_semaphore, #tpu.memory_space<semaphore_mem>>)
      %dma_wait3A_566 = arith.constant 0 : i32
      %dma_wait3A_567 = tpu.memref_slice %arg5[%run_scoped3A_122, %dma_wait3A_566] : memref<4x400xi32, #tpu.memory_space<vmem>> -> memref<1x400xi32, #tpu.memory_space<vmem>>
      %dma_wait3A_568 = tpu.memref_squeeze %dma_wait3A_567 : memref<1x400xi32, #tpu.memory_space<vmem>> -> memref<400xi32, #tpu.memory_space<vmem>>
      %dma_wait3A_569 = tpu.memref_slice %arg3[%add3A_121] : memref<819200xi32, #tpu.memory_space<hbm>> -> memref<400xi32, #tpu.memory_space<hbm>>
      %dma_wait3A_570 = arith.constant 0 : i32
      %dma_wait3A_571 = tpu.memref_slice %arg5[%run_scoped3A_122, %dma_wait3A_570] : memref<4x400xi32, #tpu.memory_space<vmem>> -> memref<1x400xi32, #tpu.memory_space<vmem>>
      %dma_wait3A_572 = tpu.memref_squeeze %dma_wait3A_571 : memref<1x400xi32, #tpu.memory_space<vmem>> -> memref<400xi32, #tpu.memory_space<vmem>>
      %dma_wait3A_573 = tpu.memref_slice %arg3[%add3A_121] : memref<819200xi32, #tpu.memory_space<hbm>> -> memref<400xi32, #tpu.memory_space<hbm>>
      tpu.wait_dma2 semaphore(%run_scoped3A_557 : memref<!tpu.dma_semaphore, #tpu.memory_space<semaphore_mem>>) src(%dma_wait3A_573 : memref<400xi32, #tpu.memory_space<hbm>>) dst(%dma_wait3A_572 : memref<400xi32, #tpu.memory_space<vmem>>)
      tpu.yield
    }) : () -> ()
    %dma_start3A_123 = arith.constant 3 : i32
    %dma_start3A_124 = arith.constant 3 : i32
    %dma_start3A_125 = arith.constant 3 : i32
    %dma_start3A_126 = arith.constant 0 : i32
    %dma_start3A_127 = arith.constant 0 : i32
    %dma_start3A_128 = tpu.memref_slice %arg6[%dma_start3A_124, %dma_start3A_126, %dma_start3A_127] : memref<4x400x64xf32, #tpu.memory_space<vmem>> -> memref<1x400x64xf32, #tpu.memory_space<vmem>>
    %dma_start3A_129 = tpu.memref_squeeze %dma_start3A_128 : memref<1x400x64xf32, #tpu.memory_space<vmem>> -> memref<400x64xf32, #tpu.memory_space<vmem>>
    %dma_start3A_130 = arith.constant 0 : i32
    %dma_start3A_131 = tpu.memref_slice %arg5[%dma_start3A_123, %dma_start3A_130] : memref<4x400xi32, #tpu.memory_space<vmem>> -> memref<1x400xi32, #tpu.memory_space<vmem>>
    %dma_start3A_132 = tpu.memref_squeeze %dma_start3A_131 : memref<1x400xi32, #tpu.memory_space<vmem>> -> memref<400xi32, #tpu.memory_space<vmem>>
    %dma_start3A_133 = arith.constant 0 : i32
    %dma_start3A_134 = arith.constant 0 : i32
    %dma_start3A_135 = tpu.memref_slice %arg2[%dma_start3A_133, %dma_start3A_134] : memref<1000000x64xf32, #tpu.memory_space<hbm>> -> memref<1000000x64xf32, #tpu.memory_space<hbm>>
    %dma_start3A_136 = tpu.memref_slice %arg7[%dma_start3A_125] : memref<4x!tpu.dma_semaphore, #tpu.memory_space<semaphore_mem>> -> memref<1x!tpu.dma_semaphore, #tpu.memory_space<semaphore_mem>>
    %dma_start3A_137 = tpu.memref_squeeze %dma_start3A_136 : memref<1x!tpu.dma_semaphore, #tpu.memory_space<semaphore_mem>> -> memref<!tpu.dma_semaphore, #tpu.memory_space<semaphore_mem>>
    tpu.enqueue_indirect_dma source(%dma_start3A_135 : memref<1000000x64xf32, #tpu.memory_space<hbm>>) target(%dma_start3A_129 : memref<400x64xf32, #tpu.memory_space<vmem>>) offsets(%dma_start3A_132 : memref<400xi32, #tpu.memory_space<vmem>>) semaphore(%dma_start3A_137 : memref<!tpu.dma_semaphore, #tpu.memory_space<semaphore_mem>>)
    %dma_wait3A_138 = arith.constant 2 : i32
    %dma_wait3A_139 = arith.constant 2 : i32
    %dma_wait3A_140 = arith.constant 2 : i32
    %dma_wait3A_141 = arith.constant 0 : i32
    %dma_wait3A_142 = arith.constant 0 : i32
    %dma_wait3A_143 = tpu.memref_slice %arg6[%dma_wait3A_139, %dma_wait3A_141, %dma_wait3A_142] : memref<4x400x64xf32, #tpu.memory_space<vmem>> -> memref<1x400x64xf32, #tpu.memory_space<vmem>>
    %dma_wait3A_144 = tpu.memref_squeeze %dma_wait3A_143 : memref<1x400x64xf32, #tpu.memory_space<vmem>> -> memref<400x64xf32, #tpu.memory_space<vmem>>
    %dma_wait3A_145 = arith.constant 0 : i32
    %dma_wait3A_146 = tpu.memref_slice %arg5[%dma_wait3A_138, %dma_wait3A_145] : memref<4x400xi32, #tpu.memory_space<vmem>> -> memref<1x400xi32, #tpu.memory_space<vmem>>
    %dma_wait3A_147 = tpu.memref_squeeze %dma_wait3A_146 : memref<1x400xi32, #tpu.memory_space<vmem>> -> memref<400xi32, #tpu.memory_space<vmem>>
    %dma_wait3A_148 = arith.constant 0 : i32
    %dma_wait3A_149 = arith.constant 0 : i32
    %dma_wait3A_150 = tpu.memref_slice %arg2[%dma_wait3A_148, %dma_wait3A_149] : memref<1000000x64xf32, #tpu.memory_space<hbm>> -> memref<1000000x64xf32, #tpu.memory_space<hbm>>
    %dma_wait3A_151 = tpu.memref_slice %arg7[%dma_wait3A_140] : memref<4x!tpu.dma_semaphore, #tpu.memory_space<semaphore_mem>> -> memref<1x!tpu.dma_semaphore, #tpu.memory_space<semaphore_mem>>
    %dma_wait3A_152 = tpu.memref_squeeze %dma_wait3A_151 : memref<1x!tpu.dma_semaphore, #tpu.memory_space<semaphore_mem>> -> memref<!tpu.dma_semaphore, #tpu.memory_space<semaphore_mem>>
    tpu.wait_indirect_dma semaphore(%dma_wait3A_152 : memref<!tpu.dma_semaphore, #tpu.memory_space<semaphore_mem>>) src(%dma_wait3A_150 : memref<1000000x64xf32, #tpu.memory_space<hbm>>) dst(%dma_wait3A_144 : memref<400x64xf32, #tpu.memory_space<vmem>>)
    %add3A_153 = arith.constant 800 : i32
    %add3A_154 = arith.addi %mul3A_2, %add3A_153 : i32
    %dma_start3A_155 = arith.constant 2 : i32
    %dma_start3A_156 = arith.constant 2 : i32
    %dma_start3A_157 = arith.constant 0 : i32
    %dma_start3A_158 = arith.constant 0 : i32
    %dma_start3A_159 = tpu.memref_slice %arg6[%dma_start3A_155, %dma_start3A_157, %dma_start3A_158] : memref<4x400x64xf32, #tpu.memory_space<vmem>> -> memref<1x400x64xf32, #tpu.memory_space<vmem>>
    %dma_start3A_160 = tpu.memref_squeeze %dma_start3A_159 : memref<1x400x64xf32, #tpu.memory_space<vmem>> -> memref<400x64xf32, #tpu.memory_space<vmem>>
    %dma_start3A_161 = arith.constant 0 : i32
    %dma_start3A_162 = tpu.memref_slice %arg4[%add3A_154, %dma_start3A_161] : memref<819200x128xf32, #tpu.memory_space<hbm>> -> memref<400x64xf32, #tpu.memory_space<hbm>>
    %dma_start3A_163 = tpu.memref_slice %arg8[%dma_start3A_156] : memref<4x!tpu.dma_semaphore, #tpu.memory_space<semaphore_mem>> -> memref<1x!tpu.dma_semaphore, #tpu.memory_space<semaphore_mem>>
    %dma_start3A_164 = tpu.memref_squeeze %dma_start3A_163 : memref<1x!tpu.dma_semaphore, #tpu.memory_space<semaphore_mem>> -> memref<!tpu.dma_semaphore, #tpu.memory_space<semaphore_mem>>
    %dma_start3A_165 = arith.constant 0 : i32
    %dma_start3A_166 = tpu.memref_slice %arg4[%add3A_154, %dma_start3A_165] : memref<819200x128xf32, #tpu.memory_space<hbm>> -> memref<400x64xf32, #tpu.memory_space<hbm>>
    %dma_start3A_167 = arith.constant 0 : i32
    %dma_start3A_168 = arith.constant 0 : i32
    %dma_start3A_169 = tpu.memref_slice %arg6[%dma_start3A_155, %dma_start3A_167, %dma_start3A_168] : memref<4x400x64xf32, #tpu.memory_space<vmem>> -> memref<1x400x64xf32, #tpu.memory_space<vmem>>
    %dma_start3A_170 = tpu.memref_squeeze %dma_start3A_169 : memref<1x400x64xf32, #tpu.memory_space<vmem>> -> memref<400x64xf32, #tpu.memory_space<vmem>>
    tpu.enqueue_dma source(%dma_start3A_170 : memref<400x64xf32, #tpu.memory_space<vmem>>) target(%dma_start3A_166 : memref<400x64xf32, #tpu.memory_space<hbm>>) target_semaphore(%dma_start3A_164 : memref<!tpu.dma_semaphore, #tpu.memory_space<semaphore_mem>>)
    %add3A_171 = arith.constant 0 : i32
    %add3A_172 = arith.addi %mul3A_2, %add3A_171 : i32
    %dma_wait3A_173 = arith.constant 0 : i32
    %dma_wait3A_174 = arith.constant 0 : i32
    %dma_wait3A_175 = arith.constant 0 : i32
    %dma_wait3A_176 = arith.constant 0 : i32
    %dma_wait3A_177 = tpu.memref_slice %arg6[%dma_wait3A_173, %dma_wait3A_175, %dma_wait3A_176] : memref<4x400x64xf32, #tpu.memory_space<vmem>> -> memref<1x400x64xf32, #tpu.memory_space<vmem>>
    %dma_wait3A_178 = tpu.memref_squeeze %dma_wait3A_177 : memref<1x400x64xf32, #tpu.memory_space<vmem>> -> memref<400x64xf32, #tpu.memory_space<vmem>>
    %dma_wait3A_179 = arith.constant 0 : i32
    %dma_wait3A_180 = tpu.memref_slice %arg4[%add3A_172, %dma_wait3A_179] : memref<819200x128xf32, #tpu.memory_space<hbm>> -> memref<400x64xf32, #tpu.memory_space<hbm>>
    %dma_wait3A_181 = tpu.memref_slice %arg8[%dma_wait3A_174] : memref<4x!tpu.dma_semaphore, #tpu.memory_space<semaphore_mem>> -> memref<1x!tpu.dma_semaphore, #tpu.memory_space<semaphore_mem>>
    %dma_wait3A_182 = tpu.memref_squeeze %dma_wait3A_181 : memref<1x!tpu.dma_semaphore, #tpu.memory_space<semaphore_mem>> -> memref<!tpu.dma_semaphore, #tpu.memory_space<semaphore_mem>>
    %dma_wait3A_183 = arith.constant 0 : i32
    %dma_wait3A_184 = tpu.memref_slice %arg4[%add3A_172, %dma_wait3A_183] : memref<819200x128xf32, #tpu.memory_space<hbm>> -> memref<400x64xf32, #tpu.memory_space<hbm>>
    %dma_wait3A_185 = arith.constant 0 : i32
    %dma_wait3A_186 = arith.constant 0 : i32
    %dma_wait3A_187 = tpu.memref_slice %arg6[%dma_wait3A_173, %dma_wait3A_185, %dma_wait3A_186] : memref<4x400x64xf32, #tpu.memory_space<vmem>> -> memref<1x400x64xf32, #tpu.memory_space<vmem>>
    %dma_wait3A_188 = tpu.memref_squeeze %dma_wait3A_187 : memref<1x400x64xf32, #tpu.memory_space<vmem>> -> memref<400x64xf32, #tpu.memory_space<vmem>>
    tpu.wait_dma2 semaphore(%dma_wait3A_182 : memref<!tpu.dma_semaphore, #tpu.memory_space<semaphore_mem>>) src(%dma_wait3A_188 : memref<400x64xf32, #tpu.memory_space<vmem>>) dst(%dma_wait3A_184 : memref<400x64xf32, #tpu.memory_space<hbm>>)
    %add3A_189 = arith.constant 1600 : i32
    %add3A_190 = arith.addi %mul3A_2, %add3A_189 : i32
    %run_scoped3A_191 = arith.constant 0 : i32
    "tpu.region"() ({
      %run_scoped3A_557 = tpu.sem_alloc : memref<!tpu.dma_semaphore, #tpu.memory_space<semaphore_mem>>
      %dma_start3A_558 = arith.constant 0 : i32
      %dma_start3A_559 = tpu.memref_slice %arg5[%run_scoped3A_191, %dma_start3A_558] : memref<4x400xi32, #tpu.memory_space<vmem>> -> memref<1x400xi32, #tpu.memory_space<vmem>>
      %dma_start3A_560 = tpu.memref_squeeze %dma_start3A_559 : memref<1x400xi32, #tpu.memory_space<vmem>> -> memref<400xi32, #tpu.memory_space<vmem>>
      %dma_start3A_561 = tpu.memref_slice %arg3[%add3A_190] : memref<819200xi32, #tpu.memory_space<hbm>> -> memref<400xi32, #tpu.memory_space<hbm>>
      %dma_start3A_562 = arith.constant 0 : i32
      %dma_start3A_563 = tpu.memref_slice %arg5[%run_scoped3A_191, %dma_start3A_562] : memref<4x400xi32, #tpu.memory_space<vmem>> -> memref<1x400xi32, #tpu.memory_space<vmem>>
      %dma_start3A_564 = tpu.memref_squeeze %dma_start3A_563 : memref<1x400xi32, #tpu.memory_space<vmem>> -> memref<400xi32, #tpu.memory_space<vmem>>
      %dma_start3A_565 = tpu.memref_slice %arg3[%add3A_190] : memref<819200xi32, #tpu.memory_space<hbm>> -> memref<400xi32, #tpu.memory_space<hbm>>
      tpu.enqueue_dma source(%dma_start3A_565 : memref<400xi32, #tpu.memory_space<hbm>>) target(%dma_start3A_564 : memref<400xi32, #tpu.memory_space<vmem>>) target_semaphore(%run_scoped3A_557 : memref<!tpu.dma_semaphore, #tpu.memory_space<semaphore_mem>>)
      %dma_wait3A_566 = arith.constant 0 : i32
      %dma_wait3A_567 = tpu.memref_slice %arg5[%run_scoped3A_191, %dma_wait3A_566] : memref<4x400xi32, #tpu.memory_space<vmem>> -> memref<1x400xi32, #tpu.memory_space<vmem>>
      %dma_wait3A_568 = tpu.memref_squeeze %dma_wait3A_567 : memref<1x400xi32, #tpu.memory_space<vmem>> -> memref<400xi32, #tpu.memory_space<vmem>>
      %dma_wait3A_569 = tpu.memref_slice %arg3[%add3A_190] : memref<819200xi32, #tpu.memory_space<hbm>> -> memref<400xi32, #tpu.memory_space<hbm>>
      %dma_wait3A_570 = arith.constant 0 : i32
      %dma_wait3A_571 = tpu.memref_slice %arg5[%run_scoped3A_191, %dma_wait3A_570] : memref<4x400xi32, #tpu.memory_space<vmem>> -> memref<1x400xi32, #tpu.memory_space<vmem>>
      %dma_wait3A_572 = tpu.memref_squeeze %dma_wait3A_571 : memref<1x400xi32, #tpu.memory_space<vmem>> -> memref<400xi32, #tpu.memory_space<vmem>>
      %dma_wait3A_573 = tpu.memref_slice %arg3[%add3A_190] : memref<819200xi32, #tpu.memory_space<hbm>> -> memref<400xi32, #tpu.memory_space<hbm>>
      tpu.wait_dma2 semaphore(%run_scoped3A_557 : memref<!tpu.dma_semaphore, #tpu.memory_space<semaphore_mem>>) src(%dma_wait3A_573 : memref<400xi32, #tpu.memory_space<hbm>>) dst(%dma_wait3A_572 : memref<400xi32, #tpu.memory_space<vmem>>)
      tpu.yield
    }) : () -> ()
    %dma_start3A_192 = arith.constant 0 : i32
    %dma_start3A_193 = arith.constant 0 : i32
    %dma_start3A_194 = arith.constant 0 : i32
    %dma_start3A_195 = arith.constant 0 : i32
    %dma_start3A_196 = arith.constant 0 : i32
    %dma_start3A_197 = tpu.memref_slice %arg6[%dma_start3A_193, %dma_start3A_195, %dma_start3A_196] : memref<4x400x64xf32, #tpu.memory_space<vmem>> -> memref<1x400x64xf32, #tpu.memory_space<vmem>>
    %dma_start3A_198 = tpu.memref_squeeze %dma_start3A_197 : memref<1x400x64xf32, #tpu.memory_space<vmem>> -> memref<400x64xf32, #tpu.memory_space<vmem>>
    %dma_start3A_199 = arith.constant 0 : i32
    %dma_start3A_200 = tpu.memref_slice %arg5[%dma_start3A_192, %dma_start3A_199] : memref<4x400xi32, #tpu.memory_space<vmem>> -> memref<1x400xi32, #tpu.memory_space<vmem>>
    %dma_start3A_201 = tpu.memref_squeeze %dma_start3A_200 : memref<1x400xi32, #tpu.memory_space<vmem>> -> memref<400xi32, #tpu.memory_space<vmem>>
    %dma_start3A_202 = arith.constant 0 : i32
    %dma_start3A_203 = arith.constant 0 : i32
    %dma_start3A_204 = tpu.memref_slice %arg2[%dma_start3A_202, %dma_start3A_203] : memref<1000000x64xf32, #tpu.memory_space<hbm>> -> memref<1000000x64xf32, #tpu.memory_space<hbm>>
    %dma_start3A_205 = tpu.memref_slice %arg7[%dma_start3A_194] : memref<4x!tpu.dma_semaphore, #tpu.memory_space<semaphore_mem>> -> memref<1x!tpu.dma_semaphore, #tpu.memory_space<semaphore_mem>>
    %dma_start3A_206 = tpu.memref_squeeze %dma_start3A_205 : memref<1x!tpu.dma_semaphore, #tpu.memory_space<semaphore_mem>> -> memref<!tpu.dma_semaphore, #tpu.memory_space<semaphore_mem>>
    tpu.enqueue_indirect_dma source(%dma_start3A_204 : memref<1000000x64xf32, #tpu.memory_space<hbm>>) target(%dma_start3A_198 : memref<400x64xf32, #tpu.memory_space<vmem>>) offsets(%dma_start3A_201 : memref<400xi32, #tpu.memory_space<vmem>>) semaphore(%dma_start3A_206 : memref<!tpu.dma_semaphore, #tpu.memory_space<semaphore_mem>>)
    %dma_wait3A_207 = arith.constant 3 : i32
    %dma_wait3A_208 = arith.constant 3 : i32
    %dma_wait3A_209 = arith.constant 3 : i32
    %dma_wait3A_210 = arith.constant 0 : i32
    %dma_wait3A_211 = arith.constant 0 : i32
    %dma_wait3A_212 = tpu.memref_slice %arg6[%dma_wait3A_208, %dma_wait3A_210, %dma_wait3A_211] : memref<4x400x64xf32, #tpu.memory_space<vmem>> -> memref<1x400x64xf32, #tpu.memory_space<vmem>>
    %dma_wait3A_213 = tpu.memref_squeeze %dma_wait3A_212 : memref<1x400x64xf32, #tpu.memory_space<vmem>> -> memref<400x64xf32, #tpu.memory_space<vmem>>
    %dma_wait3A_214 = arith.constant 0 : i32
    %dma_wait3A_215 = tpu.memref_slice %arg5[%dma_wait3A_207, %dma_wait3A_214] : memref<4x400xi32, #tpu.memory_space<vmem>> -> memref<1x400xi32, #tpu.memory_space<vmem>>
    %dma_wait3A_216 = tpu.memref_squeeze %dma_wait3A_215 : memref<1x400xi32, #tpu.memory_space<vmem>> -> memref<400xi32, #tpu.memory_space<vmem>>
    %dma_wait3A_217 = arith.constant 0 : i32
    %dma_wait3A_218 = arith.constant 0 : i32
    %dma_wait3A_219 = tpu.memref_slice %arg2[%dma_wait3A_217, %dma_wait3A_218] : memref<1000000x64xf32, #tpu.memory_space<hbm>> -> memref<1000000x64xf32, #tpu.memory_space<hbm>>
    %dma_wait3A_220 = tpu.memref_slice %arg7[%dma_wait3A_209] : memref<4x!tpu.dma_semaphore, #tpu.memory_space<semaphore_mem>> -> memref<1x!tpu.dma_semaphore, #tpu.memory_space<semaphore_mem>>
    %dma_wait3A_221 = tpu.memref_squeeze %dma_wait3A_220 : memref<1x!tpu.dma_semaphore, #tpu.memory_space<semaphore_mem>> -> memref<!tpu.dma_semaphore, #tpu.memory_space<semaphore_mem>>
    tpu.wait_indirect_dma semaphore(%dma_wait3A_221 : memref<!tpu.dma_semaphore, #tpu.memory_space<semaphore_mem>>) src(%dma_wait3A_219 : memref<1000000x64xf32, #tpu.memory_space<hbm>>) dst(%dma_wait3A_213 : memref<400x64xf32, #tpu.memory_space<vmem>>)
    %add3A_222 = arith.constant 1200 : i32
    %add3A_223 = arith.addi %mul3A_2, %add3A_222 : i32
    %dma_start3A_224 = arith.constant 3 : i32
    %dma_start3A_225 = arith.constant 3 : i32
    %dma_start3A_226 = arith.constant 0 : i32
    %dma_start3A_227 = arith.constant 0 : i32
    %dma_start3A_228 = tpu.memref_slice %arg6[%dma_start3A_224, %dma_start3A_226, %dma_start3A_227] : memref<4x400x64xf32, #tpu.memory_space<vmem>> -> memref<1x400x64xf32, #tpu.memory_space<vmem>>
    %dma_start3A_229 = tpu.memref_squeeze %dma_start3A_228 : memref<1x400x64xf32, #tpu.memory_space<vmem>> -> memref<400x64xf32, #tpu.memory_space<vmem>>
    %dma_start3A_230 = arith.constant 0 : i32
    %dma_start3A_231 = tpu.memref_slice %arg4[%add3A_223, %dma_start3A_230] : memref<819200x128xf32, #tpu.memory_space<hbm>> -> memref<400x64xf32, #tpu.memory_space<hbm>>
    %dma_start3A_232 = tpu.memref_slice %arg8[%dma_start3A_225] : memref<4x!tpu.dma_semaphore, #tpu.memory_space<semaphore_mem>> -> memref<1x!tpu.dma_semaphore, #tpu.memory_space<semaphore_mem>>
    %dma_start3A_233 = tpu.memref_squeeze %dma_start3A_232 : memref<1x!tpu.dma_semaphore, #tpu.memory_space<semaphore_mem>> -> memref<!tpu.dma_semaphore, #tpu.memory_space<semaphore_mem>>
    %dma_start3A_234 = arith.constant 0 : i32
    %dma_start3A_235 = tpu.memref_slice %arg4[%add3A_223, %dma_start3A_234] : memref<819200x128xf32, #tpu.memory_space<hbm>> -> memref<400x64xf32, #tpu.memory_space<hbm>>
    %dma_start3A_236 = arith.constant 0 : i32
    %dma_start3A_237 = arith.constant 0 : i32
    %dma_start3A_238 = tpu.memref_slice %arg6[%dma_start3A_224, %dma_start3A_236, %dma_start3A_237] : memref<4x400x64xf32, #tpu.memory_space<vmem>> -> memref<1x400x64xf32, #tpu.memory_space<vmem>>
    %dma_start3A_239 = tpu.memref_squeeze %dma_start3A_238 : memref<1x400x64xf32, #tpu.memory_space<vmem>> -> memref<400x64xf32, #tpu.memory_space<vmem>>
    tpu.enqueue_dma source(%dma_start3A_239 : memref<400x64xf32, #tpu.memory_space<vmem>>) target(%dma_start3A_235 : memref<400x64xf32, #tpu.memory_space<hbm>>) target_semaphore(%dma_start3A_233 : memref<!tpu.dma_semaphore, #tpu.memory_space<semaphore_mem>>)
    %add3A_240 = arith.constant 400 : i32
    %add3A_241 = arith.addi %mul3A_2, %add3A_240 : i32
    %dma_wait3A_242 = arith.constant 1 : i32
    %dma_wait3A_243 = arith.constant 1 : i32
    %dma_wait3A_244 = arith.constant 0 : i32
    %dma_wait3A_245 = arith.constant 0 : i32
    %dma_wait3A_246 = tpu.memref_slice %arg6[%dma_wait3A_242, %dma_wait3A_244, %dma_wait3A_245] : memref<4x400x64xf32, #tpu.memory_space<vmem>> -> memref<1x400x64xf32, #tpu.memory_space<vmem>>
    %dma_wait3A_247 = tpu.memref_squeeze %dma_wait3A_246 : memref<1x400x64xf32, #tpu.memory_space<vmem>> -> memref<400x64xf32, #tpu.memory_space<vmem>>
    %dma_wait3A_248 = arith.constant 0 : i32
    %dma_wait3A_249 = tpu.memref_slice %arg4[%add3A_241, %dma_wait3A_248] : memref<819200x128xf32, #tpu.memory_space<hbm>> -> memref<400x64xf32, #tpu.memory_space<hbm>>
    %dma_wait3A_250 = tpu.memref_slice %arg8[%dma_wait3A_243] : memref<4x!tpu.dma_semaphore, #tpu.memory_space<semaphore_mem>> -> memref<1x!tpu.dma_semaphore, #tpu.memory_space<semaphore_mem>>
    %dma_wait3A_251 = tpu.memref_squeeze %dma_wait3A_250 : memref<1x!tpu.dma_semaphore, #tpu.memory_space<semaphore_mem>> -> memref<!tpu.dma_semaphore, #tpu.memory_space<semaphore_mem>>
    %dma_wait3A_252 = arith.constant 0 : i32
    %dma_wait3A_253 = tpu.memref_slice %arg4[%add3A_241, %dma_wait3A_252] : memref<819200x128xf32, #tpu.memory_space<hbm>> -> memref<400x64xf32, #tpu.memory_space<hbm>>
    %dma_wait3A_254 = arith.constant 0 : i32
    %dma_wait3A_255 = arith.constant 0 : i32
    %dma_wait3A_256 = tpu.memref_slice %arg6[%dma_wait3A_242, %dma_wait3A_254, %dma_wait3A_255] : memref<4x400x64xf32, #tpu.memory_space<vmem>> -> memref<1x400x64xf32, #tpu.memory_space<vmem>>
    %dma_wait3A_257 = tpu.memref_squeeze %dma_wait3A_256 : memref<1x400x64xf32, #tpu.memory_space<vmem>> -> memref<400x64xf32, #tpu.memory_space<vmem>>
    tpu.wait_dma2 semaphore(%dma_wait3A_251 : memref<!tpu.dma_semaphore, #tpu.memory_space<semaphore_mem>>) src(%dma_wait3A_257 : memref<400x64xf32, #tpu.memory_space<vmem>>) dst(%dma_wait3A_253 : memref<400x64xf32, #tpu.memory_space<hbm>>)
    %add3A_258 = arith.constant 2000 : i32
    %add3A_259 = arith.addi %mul3A_2, %add3A_258 : i32
    %run_scoped3A_260 = arith.constant 1 : i32
    "tpu.region"() ({
      %run_scoped3A_557 = tpu.sem_alloc : memref<!tpu.dma_semaphore, #tpu.memory_space<semaphore_mem>>
      %dma_start3A_558 = arith.constant 0 : i32
      %dma_start3A_559 = tpu.memref_slice %arg5[%run_scoped3A_260, %dma_start3A_558] : memref<4x400xi32, #tpu.memory_space<vmem>> -> memref<1x400xi32, #tpu.memory_space<vmem>>
      %dma_start3A_560 = tpu.memref_squeeze %dma_start3A_559 : memref<1x400xi32, #tpu.memory_space<vmem>> -> memref<400xi32, #tpu.memory_space<vmem>>
      %dma_start3A_561 = tpu.memref_slice %arg3[%add3A_259] : memref<819200xi32, #tpu.memory_space<hbm>> -> memref<400xi32, #tpu.memory_space<hbm>>
      %dma_start3A_562 = arith.constant 0 : i32
      %dma_start3A_563 = tpu.memref_slice %arg5[%run_scoped3A_260, %dma_start3A_562] : memref<4x400xi32, #tpu.memory_space<vmem>> -> memref<1x400xi32, #tpu.memory_space<vmem>>
      %dma_start3A_564 = tpu.memref_squeeze %dma_start3A_563 : memref<1x400xi32, #tpu.memory_space<vmem>> -> memref<400xi32, #tpu.memory_space<vmem>>
      %dma_start3A_565 = tpu.memref_slice %arg3[%add3A_259] : memref<819200xi32, #tpu.memory_space<hbm>> -> memref<400xi32, #tpu.memory_space<hbm>>
      tpu.enqueue_dma source(%dma_start3A_565 : memref<400xi32, #tpu.memory_space<hbm>>) target(%dma_start3A_564 : memref<400xi32, #tpu.memory_space<vmem>>) target_semaphore(%run_scoped3A_557 : memref<!tpu.dma_semaphore, #tpu.memory_space<semaphore_mem>>)
      %dma_wait3A_566 = arith.constant 0 : i32
      %dma_wait3A_567 = tpu.memref_slice %arg5[%run_scoped3A_260, %dma_wait3A_566] : memref<4x400xi32, #tpu.memory_space<vmem>> -> memref<1x400xi32, #tpu.memory_space<vmem>>
      %dma_wait3A_568 = tpu.memref_squeeze %dma_wait3A_567 : memref<1x400xi32, #tpu.memory_space<vmem>> -> memref<400xi32, #tpu.memory_space<vmem>>
      %dma_wait3A_569 = tpu.memref_slice %arg3[%add3A_259] : memref<819200xi32, #tpu.memory_space<hbm>> -> memref<400xi32, #tpu.memory_space<hbm>>
      %dma_wait3A_570 = arith.constant 0 : i32
      %dma_wait3A_571 = tpu.memref_slice %arg5[%run_scoped3A_260, %dma_wait3A_570] : memref<4x400xi32, #tpu.memory_space<vmem>> -> memref<1x400xi32, #tpu.memory_space<vmem>>
      %dma_wait3A_572 = tpu.memref_squeeze %dma_wait3A_571 : memref<1x400xi32, #tpu.memory_space<vmem>> -> memref<400xi32, #tpu.memory_space<vmem>>
      %dma_wait3A_573 = tpu.memref_slice %arg3[%add3A_259] : memref<819200xi32, #tpu.memory_space<hbm>> -> memref<400xi32, #tpu.memory_space<hbm>>
      tpu.wait_dma2 semaphore(%run_scoped3A_557 : memref<!tpu.dma_semaphore, #tpu.memory_space<semaphore_mem>>) src(%dma_wait3A_573 : memref<400xi32, #tpu.memory_space<hbm>>) dst(%dma_wait3A_572 : memref<400xi32, #tpu.memory_space<vmem>>)
      tpu.yield
    }) : () -> ()
    %dma_start3A_261 = arith.constant 1 : i32
    %dma_start3A_262 = arith.constant 1 : i32
    %dma_start3A_263 = arith.constant 1 : i32
    %dma_start3A_264 = arith.constant 0 : i32
    %dma_start3A_265 = arith.constant 0 : i32
    %dma_start3A_266 = tpu.memref_slice %arg6[%dma_start3A_262, %dma_start3A_264, %dma_start3A_265] : memref<4x400x64xf32, #tpu.memory_space<vmem>> -> memref<1x400x64xf32, #tpu.memory_space<vmem>>
    %dma_start3A_267 = tpu.memref_squeeze %dma_start3A_266 : memref<1x400x64xf32, #tpu.memory_space<vmem>> -> memref<400x64xf32, #tpu.memory_space<vmem>>
    %dma_start3A_268 = arith.constant 0 : i32
    %dma_start3A_269 = tpu.memref_slice %arg5[%dma_start3A_261, %dma_start3A_268] : memref<4x400xi32, #tpu.memory_space<vmem>> -> memref<1x400xi32, #tpu.memory_space<vmem>>
    %dma_start3A_270 = tpu.memref_squeeze %dma_start3A_269 : memref<1x400xi32, #tpu.memory_space<vmem>> -> memref<400xi32, #tpu.memory_space<vmem>>
    %dma_start3A_271 = arith.constant 0 : i32
    %dma_start3A_272 = arith.constant 0 : i32
    %dma_start3A_273 = tpu.memref_slice %arg2[%dma_start3A_271, %dma_start3A_272] : memref<1000000x64xf32, #tpu.memory_space<hbm>> -> memref<1000000x64xf32, #tpu.memory_space<hbm>>
    %dma_start3A_274 = tpu.memref_slice %arg7[%dma_start3A_263] : memref<4x!tpu.dma_semaphore, #tpu.memory_space<semaphore_mem>> -> memref<1x!tpu.dma_semaphore, #tpu.memory_space<semaphore_mem>>
    %dma_start3A_275 = tpu.memref_squeeze %dma_start3A_274 : memref<1x!tpu.dma_semaphore, #tpu.memory_space<semaphore_mem>> -> memref<!tpu.dma_semaphore, #tpu.memory_space<semaphore_mem>>
    tpu.enqueue_indirect_dma source(%dma_start3A_273 : memref<1000000x64xf32, #tpu.memory_space<hbm>>) target(%dma_start3A_267 : memref<400x64xf32, #tpu.memory_space<vmem>>) offsets(%dma_start3A_270 : memref<400xi32, #tpu.memory_space<vmem>>) semaphore(%dma_start3A_275 : memref<!tpu.dma_semaphore, #tpu.memory_space<semaphore_mem>>)
    %scan3A = arith.constant 0 : i32
    %scan3A_276 = arith.constant 1 : i32
    %scan3A_277 = arith.constant 14 : i32
    %scan3A_278 = arith.addi %scan3A_276, %scan3A_277 : i32
    %scan3A_279 = arith.constant 1 : i32
    scf.for %scan3A_557 = %scan3A_276 to %scan3A_278 step %scan3A_279  : i32 {
      %mul3A_558 = arith.constant 4 : i32
      %mul3A_559 = arith.muli %scan3A_557, %mul3A_558 : i32
      %add3A_560 = arith.constant 0 : i32
      %add3A_561 = arith.addi %mul3A_559, %add3A_560 : i32
      %dma_wait3A_562 = arith.constant 0 : i32
      %dma_wait3A_563 = arith.constant 0 : i32
      %dma_wait3A_564 = arith.constant 0 : i32
      %dma_wait3A_565 = arith.constant 0 : i32
      %dma_wait3A_566 = arith.constant 0 : i32
      %dma_wait3A_567 = tpu.memref_slice %arg6[%dma_wait3A_563, %dma_wait3A_565, %dma_wait3A_566] : memref<4x400x64xf32, #tpu.memory_space<vmem>> -> memref<1x400x64xf32, #tpu.memory_space<vmem>>
      %dma_wait3A_568 = tpu.memref_squeeze %dma_wait3A_567 : memref<1x400x64xf32, #tpu.memory_space<vmem>> -> memref<400x64xf32, #tpu.memory_space<vmem>>
      %dma_wait3A_569 = arith.constant 0 : i32
      %dma_wait3A_570 = tpu.memref_slice %arg5[%dma_wait3A_562, %dma_wait3A_569] : memref<4x400xi32, #tpu.memory_space<vmem>> -> memref<1x400xi32, #tpu.memory_space<vmem>>
      %dma_wait3A_571 = tpu.memref_squeeze %dma_wait3A_570 : memref<1x400xi32, #tpu.memory_space<vmem>> -> memref<400xi32, #tpu.memory_space<vmem>>
      %dma_wait3A_572 = arith.constant 0 : i32
      %dma_wait3A_573 = arith.constant 0 : i32
      %dma_wait3A_574 = tpu.memref_slice %arg2[%dma_wait3A_572, %dma_wait3A_573] : memref<1000000x64xf32, #tpu.memory_space<hbm>> -> memref<1000000x64xf32, #tpu.memory_space<hbm>>
      %dma_wait3A_575 = tpu.memref_slice %arg7[%dma_wait3A_564] : memref<4x!tpu.dma_semaphore, #tpu.memory_space<semaphore_mem>> -> memref<1x!tpu.dma_semaphore, #tpu.memory_space<semaphore_mem>>
      %dma_wait3A_576 = tpu.memref_squeeze %dma_wait3A_575 : memref<1x!tpu.dma_semaphore, #tpu.memory_space<semaphore_mem>> -> memref<!tpu.dma_semaphore, #tpu.memory_space<semaphore_mem>>
      tpu.wait_indirect_dma semaphore(%dma_wait3A_576 : memref<!tpu.dma_semaphore, #tpu.memory_space<semaphore_mem>>) src(%dma_wait3A_574 : memref<1000000x64xf32, #tpu.memory_space<hbm>>) dst(%dma_wait3A_568 : memref<400x64xf32, #tpu.memory_space<vmem>>)
      %mul3A_577 = arith.constant 400 : i32
      %mul3A_578 = arith.muli %add3A_561, %mul3A_577 : i32
      %add3A_579 = arith.addi %mul3A_2, %mul3A_578 : i32
      %dma_start3A_580 = arith.constant 0 : i32
      %dma_start3A_581 = arith.constant 0 : i32
      %dma_start3A_582 = arith.constant 0 : i32
      %dma_start3A_583 = arith.constant 0 : i32
      %dma_start3A_584 = tpu.memref_slice %arg6[%dma_start3A_580, %dma_start3A_582, %dma_start3A_583] : memref<4x400x64xf32, #tpu.memory_space<vmem>> -> memref<1x400x64xf32, #tpu.memory_space<vmem>>
      %dma_start3A_585 = tpu.memref_squeeze %dma_start3A_584 : memref<1x400x64xf32, #tpu.memory_space<vmem>> -> memref<400x64xf32, #tpu.memory_space<vmem>>
      %dma_start3A_586 = arith.constant 0 : i32
      %dma_start3A_587 = tpu.memref_slice %arg4[%add3A_579, %dma_start3A_586] : memref<819200x128xf32, #tpu.memory_space<hbm>> -> memref<400x64xf32, #tpu.memory_space<hbm>>
      %dma_start3A_588 = tpu.memref_slice %arg8[%dma_start3A_581] : memref<4x!tpu.dma_semaphore, #tpu.memory_space<semaphore_mem>> -> memref<1x!tpu.dma_semaphore, #tpu.memory_space<semaphore_mem>>
      %dma_start3A_589 = tpu.memref_squeeze %dma_start3A_588 : memref<1x!tpu.dma_semaphore, #tpu.memory_space<semaphore_mem>> -> memref<!tpu.dma_semaphore, #tpu.memory_space<semaphore_mem>>
      %dma_start3A_590 = arith.constant 0 : i32
      %dma_start3A_591 = tpu.memref_slice %arg4[%add3A_579, %dma_start3A_590] : memref<819200x128xf32, #tpu.memory_space<hbm>> -> memref<400x64xf32, #tpu.memory_space<hbm>>
      %dma_start3A_592 = arith.constant 0 : i32
      %dma_start3A_593 = arith.constant 0 : i32
      %dma_start3A_594 = tpu.memref_slice %arg6[%dma_start3A_580, %dma_start3A_592, %dma_start3A_593] : memref<4x400x64xf32, #tpu.memory_space<vmem>> -> memref<1x400x64xf32, #tpu.memory_space<vmem>>
      %dma_start3A_595 = tpu.memref_squeeze %dma_start3A_594 : memref<1x400x64xf32, #tpu.memory_space<vmem>> -> memref<400x64xf32, #tpu.memory_space<vmem>>
      tpu.enqueue_dma source(%dma_start3A_595 : memref<400x64xf32, #tpu.memory_space<vmem>>) target(%dma_start3A_591 : memref<400x64xf32, #tpu.memory_space<hbm>>) target_semaphore(%dma_start3A_589 : memref<!tpu.dma_semaphore, #tpu.memory_space<semaphore_mem>>)
      %sub3A = arith.constant 2 : i32
      %sub3A_596 = arith.subi %add3A_561, %sub3A : i32
      %mul3A_597 = arith.constant 400 : i32
      %mul3A_598 = arith.muli %sub3A_596, %mul3A_597 : i32
      %add3A_599 = arith.addi %mul3A_2, %mul3A_598 : i32
      %dma_wait3A_600 = arith.constant 2 : i32
      %dma_wait3A_601 = arith.constant 2 : i32
      %dma_wait3A_602 = arith.constant 0 : i32
      %dma_wait3A_603 = arith.constant 0 : i32
      %dma_wait3A_604 = tpu.memref_slice %arg6[%dma_wait3A_600, %dma_wait3A_602, %dma_wait3A_603] : memref<4x400x64xf32, #tpu.memory_space<vmem>> -> memref<1x400x64xf32, #tpu.memory_space<vmem>>
      %dma_wait3A_605 = tpu.memref_squeeze %dma_wait3A_604 : memref<1x400x64xf32, #tpu.memory_space<vmem>> -> memref<400x64xf32, #tpu.memory_space<vmem>>
      %dma_wait3A_606 = arith.constant 0 : i32
      %dma_wait3A_607 = tpu.memref_slice %arg4[%add3A_599, %dma_wait3A_606] : memref<819200x128xf32, #tpu.memory_space<hbm>> -> memref<400x64xf32, #tpu.memory_space<hbm>>
      %dma_wait3A_608 = tpu.memref_slice %arg8[%dma_wait3A_601] : memref<4x!tpu.dma_semaphore, #tpu.memory_space<semaphore_mem>> -> memref<1x!tpu.dma_semaphore, #tpu.memory_space<semaphore_mem>>
      %dma_wait3A_609 = tpu.memref_squeeze %dma_wait3A_608 : memref<1x!tpu.dma_semaphore, #tpu.memory_space<semaphore_mem>> -> memref<!tpu.dma_semaphore, #tpu.memory_space<semaphore_mem>>
      %dma_wait3A_610 = arith.constant 0 : i32
      %dma_wait3A_611 = tpu.memref_slice %arg4[%add3A_599, %dma_wait3A_610] : memref<819200x128xf32, #tpu.memory_space<hbm>> -> memref<400x64xf32, #tpu.memory_space<hbm>>
      %dma_wait3A_612 = arith.constant 0 : i32
      %dma_wait3A_613 = arith.constant 0 : i32
      %dma_wait3A_614 = tpu.memref_slice %arg6[%dma_wait3A_600, %dma_wait3A_612, %dma_wait3A_613] : memref<4x400x64xf32, #tpu.memory_space<vmem>> -> memref<1x400x64xf32, #tpu.memory_space<vmem>>
      %dma_wait3A_615 = tpu.memref_squeeze %dma_wait3A_614 : memref<1x400x64xf32, #tpu.memory_space<vmem>> -> memref<400x64xf32, #tpu.memory_space<vmem>>
      tpu.wait_dma2 semaphore(%dma_wait3A_609 : memref<!tpu.dma_semaphore, #tpu.memory_space<semaphore_mem>>) src(%dma_wait3A_615 : memref<400x64xf32, #tpu.memory_space<vmem>>) dst(%dma_wait3A_611 : memref<400x64xf32, #tpu.memory_space<hbm>>)
      %add3A_616 = arith.constant 2 : i32
      %add3A_617 = arith.addi %add3A_561, %add3A_616 : i32
      %mul3A_618 = arith.constant 400 : i32
      %mul3A_619 = arith.muli %add3A_617, %mul3A_618 : i32
      %add3A_620 = arith.addi %mul3A_2, %mul3A_619 : i32
      %run_scoped3A_621 = arith.constant 2 : i32
      "tpu.region"() ({
        %run_scoped3A_871 = tpu.sem_alloc : memref<!tpu.dma_semaphore, #tpu.memory_space<semaphore_mem>>
        %dma_start3A_872 = arith.constant 0 : i32
        %dma_start3A_873 = tpu.memref_slice %arg5[%run_scoped3A_621, %dma_start3A_872] : memref<4x400xi32, #tpu.memory_space<vmem>> -> memref<1x400xi32, #tpu.memory_space<vmem>>
        %dma_start3A_874 = tpu.memref_squeeze %dma_start3A_873 : memref<1x400xi32, #tpu.memory_space<vmem>> -> memref<400xi32, #tpu.memory_space<vmem>>
        %dma_start3A_875 = tpu.memref_slice %arg3[%add3A_620] : memref<819200xi32, #tpu.memory_space<hbm>> -> memref<400xi32, #tpu.memory_space<hbm>>
        %dma_start3A_876 = arith.constant 0 : i32
        %dma_start3A_877 = tpu.memref_slice %arg5[%run_scoped3A_621, %dma_start3A_876] : memref<4x400xi32, #tpu.memory_space<vmem>> -> memref<1x400xi32, #tpu.memory_space<vmem>>
        %dma_start3A_878 = tpu.memref_squeeze %dma_start3A_877 : memref<1x400xi32, #tpu.memory_space<vmem>> -> memref<400xi32, #tpu.memory_space<vmem>>
        %dma_start3A_879 = tpu.memref_slice %arg3[%add3A_620] : memref<819200xi32, #tpu.memory_space<hbm>> -> memref<400xi32, #tpu.memory_space<hbm>>
        tpu.enqueue_dma source(%dma_start3A_879 : memref<400xi32, #tpu.memory_space<hbm>>) target(%dma_start3A_878 : memref<400xi32, #tpu.memory_space<vmem>>) target_semaphore(%run_scoped3A_871 : memref<!tpu.dma_semaphore, #tpu.memory_space<semaphore_mem>>)
        %dma_wait3A_880 = arith.constant 0 : i32
        %dma_wait3A_881 = tpu.memref_slice %arg5[%run_scoped3A_621, %dma_wait3A_880] : memref<4x400xi32, #tpu.memory_space<vmem>> -> memref<1x400xi32, #tpu.memory_space<vmem>>
        %dma_wait3A_882 = tpu.memref_squeeze %dma_wait3A_881 : memref<1x400xi32, #tpu.memory_space<vmem>> -> memref<400xi32, #tpu.memory_space<vmem>>
        %dma_wait3A_883 = tpu.memref_slice %arg3[%add3A_620] : memref<819200xi32, #tpu.memory_space<hbm>> -> memref<400xi32, #tpu.memory_space<hbm>>
        %dma_wait3A_884 = arith.constant 0 : i32
        %dma_wait3A_885 = tpu.memref_slice %arg5[%run_scoped3A_621, %dma_wait3A_884] : memref<4x400xi32, #tpu.memory_space<vmem>> -> memref<1x400xi32, #tpu.memory_space<vmem>>
        %dma_wait3A_886 = tpu.memref_squeeze %dma_wait3A_885 : memref<1x400xi32, #tpu.memory_space<vmem>> -> memref<400xi32, #tpu.memory_space<vmem>>
        %dma_wait3A_887 = tpu.memref_slice %arg3[%add3A_620] : memref<819200xi32, #tpu.memory_space<hbm>> -> memref<400xi32, #tpu.memory_space<hbm>>
        tpu.wait_dma2 semaphore(%run_scoped3A_871 : memref<!tpu.dma_semaphore, #tpu.memory_space<semaphore_mem>>) src(%dma_wait3A_887 : memref<400xi32, #tpu.memory_space<hbm>>) dst(%dma_wait3A_886 : memref<400xi32, #tpu.memory_space<vmem>>)
        tpu.yield
      }) : () -> ()
      %dma_start3A_622 = arith.constant 2 : i32
      %dma_start3A_623 = arith.constant 2 : i32
      %dma_start3A_624 = arith.constant 2 : i32
      %dma_start3A_625 = arith.constant 0 : i32
      %dma_start3A_626 = arith.constant 0 : i32
      %dma_start3A_627 = tpu.memref_slice %arg6[%dma_start3A_623, %dma_start3A_625, %dma_start3A_626] : memref<4x400x64xf32, #tpu.memory_space<vmem>> -> memref<1x400x64xf32, #tpu.memory_space<vmem>>
      %dma_start3A_628 = tpu.memref_squeeze %dma_start3A_627 : memref<1x400x64xf32, #tpu.memory_space<vmem>> -> memref<400x64xf32, #tpu.memory_space<vmem>>
      %dma_start3A_629 = arith.constant 0 : i32
      %dma_start3A_630 = tpu.memref_slice %arg5[%dma_start3A_622, %dma_start3A_629] : memref<4x400xi32, #tpu.memory_space<vmem>> -> memref<1x400xi32, #tpu.memory_space<vmem>>
      %dma_start3A_631 = tpu.memref_squeeze %dma_start3A_630 : memref<1x400xi32, #tpu.memory_space<vmem>> -> memref<400xi32, #tpu.memory_space<vmem>>
      %dma_start3A_632 = arith.constant 0 : i32
      %dma_start3A_633 = arith.constant 0 : i32
      %dma_start3A_634 = tpu.memref_slice %arg2[%dma_start3A_632, %dma_start3A_633] : memref<1000000x64xf32, #tpu.memory_space<hbm>> -> memref<1000000x64xf32, #tpu.memory_space<hbm>>
      %dma_start3A_635 = tpu.memref_slice %arg7[%dma_start3A_624] : memref<4x!tpu.dma_semaphore, #tpu.memory_space<semaphore_mem>> -> memref<1x!tpu.dma_semaphore, #tpu.memory_space<semaphore_mem>>
      %dma_start3A_636 = tpu.memref_squeeze %dma_start3A_635 : memref<1x!tpu.dma_semaphore, #tpu.memory_space<semaphore_mem>> -> memref<!tpu.dma_semaphore, #tpu.memory_space<semaphore_mem>>
      tpu.enqueue_indirect_dma source(%dma_start3A_634 : memref<1000000x64xf32, #tpu.memory_space<hbm>>) target(%dma_start3A_628 : memref<400x64xf32, #tpu.memory_space<vmem>>) offsets(%dma_start3A_631 : memref<400xi32, #tpu.memory_space<vmem>>) semaphore(%dma_start3A_636 : memref<!tpu.dma_semaphore, #tpu.memory_space<semaphore_mem>>)
      %add3A_637 = arith.constant 1 : i32
      %add3A_638 = arith.addi %mul3A_559, %add3A_637 : i32
      %dma_wait3A_639 = arith.constant 1 : i32
      %dma_wait3A_640 = arith.constant 1 : i32
      %dma_wait3A_641 = arith.constant 1 : i32
      %dma_wait3A_642 = arith.constant 0 : i32
      %dma_wait3A_643 = arith.constant 0 : i32
      %dma_wait3A_644 = tpu.memref_slice %arg6[%dma_wait3A_640, %dma_wait3A_642, %dma_wait3A_643] : memref<4x400x64xf32, #tpu.memory_space<vmem>> -> memref<1x400x64xf32, #tpu.memory_space<vmem>>
      %dma_wait3A_645 = tpu.memref_squeeze %dma_wait3A_644 : memref<1x400x64xf32, #tpu.memory_space<vmem>> -> memref<400x64xf32, #tpu.memory_space<vmem>>
      %dma_wait3A_646 = arith.constant 0 : i32
      %dma_wait3A_647 = tpu.memref_slice %arg5[%dma_wait3A_639, %dma_wait3A_646] : memref<4x400xi32, #tpu.memory_space<vmem>> -> memref<1x400xi32, #tpu.memory_space<vmem>>
      %dma_wait3A_648 = tpu.memref_squeeze %dma_wait3A_647 : memref<1x400xi32, #tpu.memory_space<vmem>> -> memref<400xi32, #tpu.memory_space<vmem>>
      %dma_wait3A_649 = arith.constant 0 : i32
      %dma_wait3A_650 = arith.constant 0 : i32
      %dma_wait3A_651 = tpu.memref_slice %arg2[%dma_wait3A_649, %dma_wait3A_650] : memref<1000000x64xf32, #tpu.memory_space<hbm>> -> memref<1000000x64xf32, #tpu.memory_space<hbm>>
      %dma_wait3A_652 = tpu.memref_slice %arg7[%dma_wait3A_641] : memref<4x!tpu.dma_semaphore, #tpu.memory_space<semaphore_mem>> -> memref<1x!tpu.dma_semaphore, #tpu.memory_space<semaphore_mem>>
      %dma_wait3A_653 = tpu.memref_squeeze %dma_wait3A_652 : memref<1x!tpu.dma_semaphore, #tpu.memory_space<semaphore_mem>> -> memref<!tpu.dma_semaphore, #tpu.memory_space<semaphore_mem>>
      tpu.wait_indirect_dma semaphore(%dma_wait3A_653 : memref<!tpu.dma_semaphore, #tpu.memory_space<semaphore_mem>>) src(%dma_wait3A_651 : memref<1000000x64xf32, #tpu.memory_space<hbm>>) dst(%dma_wait3A_645 : memref<400x64xf32, #tpu.memory_space<vmem>>)
      %mul3A_654 = arith.constant 400 : i32
      %mul3A_655 = arith.muli %add3A_638, %mul3A_654 : i32
      %add3A_656 = arith.addi %mul3A_2, %mul3A_655 : i32
      %dma_start3A_657 = arith.constant 1 : i32
      %dma_start3A_658 = arith.constant 1 : i32
      %dma_start3A_659 = arith.constant 0 : i32
      %dma_start3A_660 = arith.constant 0 : i32
      %dma_start3A_661 = tpu.memref_slice %arg6[%dma_start3A_657, %dma_start3A_659, %dma_start3A_660] : memref<4x400x64xf32, #tpu.memory_space<vmem>> -> memref<1x400x64xf32, #tpu.memory_space<vmem>>
      %dma_start3A_662 = tpu.memref_squeeze %dma_start3A_661 : memref<1x400x64xf32, #tpu.memory_space<vmem>> -> memref<400x64xf32, #tpu.memory_space<vmem>>
      %dma_start3A_663 = arith.constant 0 : i32
      %dma_start3A_664 = tpu.memref_slice %arg4[%add3A_656, %dma_start3A_663] : memref<819200x128xf32, #tpu.memory_space<hbm>> -> memref<400x64xf32, #tpu.memory_space<hbm>>
      %dma_start3A_665 = tpu.memref_slice %arg8[%dma_start3A_658] : memref<4x!tpu.dma_semaphore, #tpu.memory_space<semaphore_mem>> -> memref<1x!tpu.dma_semaphore, #tpu.memory_space<semaphore_mem>>
      %dma_start3A_666 = tpu.memref_squeeze %dma_start3A_665 : memref<1x!tpu.dma_semaphore, #tpu.memory_space<semaphore_mem>> -> memref<!tpu.dma_semaphore, #tpu.memory_space<semaphore_mem>>
      %dma_start3A_667 = arith.constant 0 : i32
      %dma_start3A_668 = tpu.memref_slice %arg4[%add3A_656, %dma_start3A_667] : memref<819200x128xf32, #tpu.memory_space<hbm>> -> memref<400x64xf32, #tpu.memory_space<hbm>>
      %dma_start3A_669 = arith.constant 0 : i32
      %dma_start3A_670 = arith.constant 0 : i32
      %dma_start3A_671 = tpu.memref_slice %arg6[%dma_start3A_657, %dma_start3A_669, %dma_start3A_670] : memref<4x400x64xf32, #tpu.memory_space<vmem>> -> memref<1x400x64xf32, #tpu.memory_space<vmem>>
      %dma_start3A_672 = tpu.memref_squeeze %dma_start3A_671 : memref<1x400x64xf32, #tpu.memory_space<vmem>> -> memref<400x64xf32, #tpu.memory_space<vmem>>
      tpu.enqueue_dma source(%dma_start3A_672 : memref<400x64xf32, #tpu.memory_space<vmem>>) target(%dma_start3A_668 : memref<400x64xf32, #tpu.memory_space<hbm>>) target_semaphore(%dma_start3A_666 : memref<!tpu.dma_semaphore, #tpu.memory_space<semaphore_mem>>)
      %sub3A_673 = arith.constant 2 : i32
      %sub3A_674 = arith.subi %add3A_638, %sub3A_673 : i32
      %mul3A_675 = arith.constant 400 : i32
      %mul3A_676 = arith.muli %sub3A_674, %mul3A_675 : i32
      %add3A_677 = arith.addi %mul3A_2, %mul3A_676 : i32
      %dma_wait3A_678 = arith.constant 3 : i32
      %dma_wait3A_679 = arith.constant 3 : i32
      %dma_wait3A_680 = arith.constant 0 : i32
      %dma_wait3A_681 = arith.constant 0 : i32
      %dma_wait3A_682 = tpu.memref_slice %arg6[%dma_wait3A_678, %dma_wait3A_680, %dma_wait3A_681] : memref<4x400x64xf32, #tpu.memory_space<vmem>> -> memref<1x400x64xf32, #tpu.memory_space<vmem>>
      %dma_wait3A_683 = tpu.memref_squeeze %dma_wait3A_682 : memref<1x400x64xf32, #tpu.memory_space<vmem>> -> memref<400x64xf32, #tpu.memory_space<vmem>>
      %dma_wait3A_684 = arith.constant 0 : i32
      %dma_wait3A_685 = tpu.memref_slice %arg4[%add3A_677, %dma_wait3A_684] : memref<819200x128xf32, #tpu.memory_space<hbm>> -> memref<400x64xf32, #tpu.memory_space<hbm>>
      %dma_wait3A_686 = tpu.memref_slice %arg8[%dma_wait3A_679] : memref<4x!tpu.dma_semaphore, #tpu.memory_space<semaphore_mem>> -> memref<1x!tpu.dma_semaphore, #tpu.memory_space<semaphore_mem>>
      %dma_wait3A_687 = tpu.memref_squeeze %dma_wait3A_686 : memref<1x!tpu.dma_semaphore, #tpu.memory_space<semaphore_mem>> -> memref<!tpu.dma_semaphore, #tpu.memory_space<semaphore_mem>>
      %dma_wait3A_688 = arith.constant 0 : i32
      %dma_wait3A_689 = tpu.memref_slice %arg4[%add3A_677, %dma_wait3A_688] : memref<819200x128xf32, #tpu.memory_space<hbm>> -> memref<400x64xf32, #tpu.memory_space<hbm>>
      %dma_wait3A_690 = arith.constant 0 : i32
      %dma_wait3A_691 = arith.constant 0 : i32
      %dma_wait3A_692 = tpu.memref_slice %arg6[%dma_wait3A_678, %dma_wait3A_690, %dma_wait3A_691] : memref<4x400x64xf32, #tpu.memory_space<vmem>> -> memref<1x400x64xf32, #tpu.memory_space<vmem>>
      %dma_wait3A_693 = tpu.memref_squeeze %dma_wait3A_692 : memref<1x400x64xf32, #tpu.memory_space<vmem>> -> memref<400x64xf32, #tpu.memory_space<vmem>>
      tpu.wait_dma2 semaphore(%dma_wait3A_687 : memref<!tpu.dma_semaphore, #tpu.memory_space<semaphore_mem>>) src(%dma_wait3A_693 : memref<400x64xf32, #tpu.memory_space<vmem>>) dst(%dma_wait3A_689 : memref<400x64xf32, #tpu.memory_space<hbm>>)
      %add3A_694 = arith.constant 2 : i32
      %add3A_695 = arith.addi %add3A_638, %add3A_694 : i32
      %mul3A_696 = arith.constant 400 : i32
      %mul3A_697 = arith.muli %add3A_695, %mul3A_696 : i32
      %add3A_698 = arith.addi %mul3A_2, %mul3A_697 : i32
      %run_scoped3A_699 = arith.constant 3 : i32
      "tpu.region"() ({
        %run_scoped3A_871 = tpu.sem_alloc : memref<!tpu.dma_semaphore, #tpu.memory_space<semaphore_mem>>
        %dma_start3A_872 = arith.constant 0 : i32
        %dma_start3A_873 = tpu.memref_slice %arg5[%run_scoped3A_699, %dma_start3A_872] : memref<4x400xi32, #tpu.memory_space<vmem>> -> memref<1x400xi32, #tpu.memory_space<vmem>>
        %dma_start3A_874 = tpu.memref_squeeze %dma_start3A_873 : memref<1x400xi32, #tpu.memory_space<vmem>> -> memref<400xi32, #tpu.memory_space<vmem>>
        %dma_start3A_875 = tpu.memref_slice %arg3[%add3A_698] : memref<819200xi32, #tpu.memory_space<hbm>> -> memref<400xi32, #tpu.memory_space<hbm>>
        %dma_start3A_876 = arith.constant 0 : i32
        %dma_start3A_877 = tpu.memref_slice %arg5[%run_scoped3A_699, %dma_start3A_876] : memref<4x400xi32, #tpu.memory_space<vmem>> -> memref<1x400xi32, #tpu.memory_space<vmem>>
        %dma_start3A_878 = tpu.memref_squeeze %dma_start3A_877 : memref<1x400xi32, #tpu.memory_space<vmem>> -> memref<400xi32, #tpu.memory_space<vmem>>
        %dma_start3A_879 = tpu.memref_slice %arg3[%add3A_698] : memref<819200xi32, #tpu.memory_space<hbm>> -> memref<400xi32, #tpu.memory_space<hbm>>
        tpu.enqueue_dma source(%dma_start3A_879 : memref<400xi32, #tpu.memory_space<hbm>>) target(%dma_start3A_878 : memref<400xi32, #tpu.memory_space<vmem>>) target_semaphore(%run_scoped3A_871 : memref<!tpu.dma_semaphore, #tpu.memory_space<semaphore_mem>>)
        %dma_wait3A_880 = arith.constant 0 : i32
        %dma_wait3A_881 = tpu.memref_slice %arg5[%run_scoped3A_699, %dma_wait3A_880] : memref<4x400xi32, #tpu.memory_space<vmem>> -> memref<1x400xi32, #tpu.memory_space<vmem>>
        %dma_wait3A_882 = tpu.memref_squeeze %dma_wait3A_881 : memref<1x400xi32, #tpu.memory_space<vmem>> -> memref<400xi32, #tpu.memory_space<vmem>>
        %dma_wait3A_883 = tpu.memref_slice %arg3[%add3A_698] : memref<819200xi32, #tpu.memory_space<hbm>> -> memref<400xi32, #tpu.memory_space<hbm>>
        %dma_wait3A_884 = arith.constant 0 : i32
        %dma_wait3A_885 = tpu.memref_slice %arg5[%run_scoped3A_699, %dma_wait3A_884] : memref<4x400xi32, #tpu.memory_space<vmem>> -> memref<1x400xi32, #tpu.memory_space<vmem>>
        %dma_wait3A_886 = tpu.memref_squeeze %dma_wait3A_885 : memref<1x400xi32, #tpu.memory_space<vmem>> -> memref<400xi32, #tpu.memory_space<vmem>>
        %dma_wait3A_887 = tpu.memref_slice %arg3[%add3A_698] : memref<819200xi32, #tpu.memory_space<hbm>> -> memref<400xi32, #tpu.memory_space<hbm>>
        tpu.wait_dma2 semaphore(%run_scoped3A_871 : memref<!tpu.dma_semaphore, #tpu.memory_space<semaphore_mem>>) src(%dma_wait3A_887 : memref<400xi32, #tpu.memory_space<hbm>>) dst(%dma_wait3A_886 : memref<400xi32, #tpu.memory_space<vmem>>)
        tpu.yield
      }) : () -> ()
      %dma_start3A_700 = arith.constant 3 : i32
      %dma_start3A_701 = arith.constant 3 : i32
      %dma_start3A_702 = arith.constant 3 : i32
      %dma_start3A_703 = arith.constant 0 : i32
      %dma_start3A_704 = arith.constant 0 : i32
      %dma_start3A_705 = tpu.memref_slice %arg6[%dma_start3A_701, %dma_start3A_703, %dma_start3A_704] : memref<4x400x64xf32, #tpu.memory_space<vmem>> -> memref<1x400x64xf32, #tpu.memory_space<vmem>>
      %dma_start3A_706 = tpu.memref_squeeze %dma_start3A_705 : memref<1x400x64xf32, #tpu.memory_space<vmem>> -> memref<400x64xf32, #tpu.memory_space<vmem>>
      %dma_start3A_707 = arith.constant 0 : i32
      %dma_start3A_708 = tpu.memref_slice %arg5[%dma_start3A_700, %dma_start3A_707] : memref<4x400xi32, #tpu.memory_space<vmem>> -> memref<1x400xi32, #tpu.memory_space<vmem>>
      %dma_start3A_709 = tpu.memref_squeeze %dma_start3A_708 : memref<1x400xi32, #tpu.memory_space<vmem>> -> memref<400xi32, #tpu.memory_space<vmem>>
      %dma_start3A_710 = arith.constant 0 : i32
      %dma_start3A_711 = arith.constant 0 : i32
      %dma_start3A_712 = tpu.memref_slice %arg2[%dma_start3A_710, %dma_start3A_711] : memref<1000000x64xf32, #tpu.memory_space<hbm>> -> memref<1000000x64xf32, #tpu.memory_space<hbm>>
      %dma_start3A_713 = tpu.memref_slice %arg7[%dma_start3A_702] : memref<4x!tpu.dma_semaphore, #tpu.memory_space<semaphore_mem>> -> memref<1x!tpu.dma_semaphore, #tpu.memory_space<semaphore_mem>>
      %dma_start3A_714 = tpu.memref_squeeze %dma_start3A_713 : memref<1x!tpu.dma_semaphore, #tpu.memory_space<semaphore_mem>> -> memref<!tpu.dma_semaphore, #tpu.memory_space<semaphore_mem>>
      tpu.enqueue_indirect_dma source(%dma_start3A_712 : memref<1000000x64xf32, #tpu.memory_space<hbm>>) target(%dma_start3A_706 : memref<400x64xf32, #tpu.memory_space<vmem>>) offsets(%dma_start3A_709 : memref<400xi32, #tpu.memory_space<vmem>>) semaphore(%dma_start3A_714 : memref<!tpu.dma_semaphore, #tpu.memory_space<semaphore_mem>>)
      %add3A_715 = arith.constant 2 : i32
      %add3A_716 = arith.addi %mul3A_559, %add3A_715 : i32
      %dma_wait3A_717 = arith.constant 2 : i32
      %dma_wait3A_718 = arith.constant 2 : i32
      %dma_wait3A_719 = arith.constant 2 : i32
      %dma_wait3A_720 = arith.constant 0 : i32
      %dma_wait3A_721 = arith.constant 0 : i32
      %dma_wait3A_722 = tpu.memref_slice %arg6[%dma_wait3A_718, %dma_wait3A_720, %dma_wait3A_721] : memref<4x400x64xf32, #tpu.memory_space<vmem>> -> memref<1x400x64xf32, #tpu.memory_space<vmem>>
      %dma_wait3A_723 = tpu.memref_squeeze %dma_wait3A_722 : memref<1x400x64xf32, #tpu.memory_space<vmem>> -> memref<400x64xf32, #tpu.memory_space<vmem>>
      %dma_wait3A_724 = arith.constant 0 : i32
      %dma_wait3A_725 = tpu.memref_slice %arg5[%dma_wait3A_717, %dma_wait3A_724] : memref<4x400xi32, #tpu.memory_space<vmem>> -> memref<1x400xi32, #tpu.memory_space<vmem>>
      %dma_wait3A_726 = tpu.memref_squeeze %dma_wait3A_725 : memref<1x400xi32, #tpu.memory_space<vmem>> -> memref<400xi32, #tpu.memory_space<vmem>>
      %dma_wait3A_727 = arith.constant 0 : i32
      %dma_wait3A_728 = arith.constant 0 : i32
      %dma_wait3A_729 = tpu.memref_slice %arg2[%dma_wait3A_727, %dma_wait3A_728] : memref<1000000x64xf32, #tpu.memory_space<hbm>> -> memref<1000000x64xf32, #tpu.memory_space<hbm>>
      %dma_wait3A_730 = tpu.memref_slice %arg7[%dma_wait3A_719] : memref<4x!tpu.dma_semaphore, #tpu.memory_space<semaphore_mem>> -> memref<1x!tpu.dma_semaphore, #tpu.memory_space<semaphore_mem>>
      %dma_wait3A_731 = tpu.memref_squeeze %dma_wait3A_730 : memref<1x!tpu.dma_semaphore, #tpu.memory_space<semaphore_mem>> -> memref<!tpu.dma_semaphore, #tpu.memory_space<semaphore_mem>>
      tpu.wait_indirect_dma semaphore(%dma_wait3A_731 : memref<!tpu.dma_semaphore, #tpu.memory_space<semaphore_mem>>) src(%dma_wait3A_729 : memref<1000000x64xf32, #tpu.memory_space<hbm>>) dst(%dma_wait3A_723 : memref<400x64xf32, #tpu.memory_space<vmem>>)
      %mul3A_732 = arith.constant 400 : i32
      %mul3A_733 = arith.muli %add3A_716, %mul3A_732 : i32
      %add3A_734 = arith.addi %mul3A_2, %mul3A_733 : i32
      %dma_start3A_735 = arith.constant 2 : i32
      %dma_start3A_736 = arith.constant 2 : i32
      %dma_start3A_737 = arith.constant 0 : i32
      %dma_start3A_738 = arith.constant 0 : i32
      %dma_start3A_739 = tpu.memref_slice %arg6[%dma_start3A_735, %dma_start3A_737, %dma_start3A_738] : memref<4x400x64xf32, #tpu.memory_space<vmem>> -> memref<1x400x64xf32, #tpu.memory_space<vmem>>
      %dma_start3A_740 = tpu.memref_squeeze %dma_start3A_739 : memref<1x400x64xf32, #tpu.memory_space<vmem>> -> memref<400x64xf32, #tpu.memory_space<vmem>>
      %dma_start3A_741 = arith.constant 0 : i32
      %dma_start3A_742 = tpu.memref_slice %arg4[%add3A_734, %dma_start3A_741] : memref<819200x128xf32, #tpu.memory_space<hbm>> -> memref<400x64xf32, #tpu.memory_space<hbm>>
      %dma_start3A_743 = tpu.memref_slice %arg8[%dma_start3A_736] : memref<4x!tpu.dma_semaphore, #tpu.memory_space<semaphore_mem>> -> memref<1x!tpu.dma_semaphore, #tpu.memory_space<semaphore_mem>>
      %dma_start3A_744 = tpu.memref_squeeze %dma_start3A_743 : memref<1x!tpu.dma_semaphore, #tpu.memory_space<semaphore_mem>> -> memref<!tpu.dma_semaphore, #tpu.memory_space<semaphore_mem>>
      %dma_start3A_745 = arith.constant 0 : i32
      %dma_start3A_746 = tpu.memref_slice %arg4[%add3A_734, %dma_start3A_745] : memref<819200x128xf32, #tpu.memory_space<hbm>> -> memref<400x64xf32, #tpu.memory_space<hbm>>
      %dma_start3A_747 = arith.constant 0 : i32
      %dma_start3A_748 = arith.constant 0 : i32
      %dma_start3A_749 = tpu.memref_slice %arg6[%dma_start3A_735, %dma_start3A_747, %dma_start3A_748] : memref<4x400x64xf32, #tpu.memory_space<vmem>> -> memref<1x400x64xf32, #tpu.memory_space<vmem>>
      %dma_start3A_750 = tpu.memref_squeeze %dma_start3A_749 : memref<1x400x64xf32, #tpu.memory_space<vmem>> -> memref<400x64xf32, #tpu.memory_space<vmem>>
      tpu.enqueue_dma source(%dma_start3A_750 : memref<400x64xf32, #tpu.memory_space<vmem>>) target(%dma_start3A_746 : memref<400x64xf32, #tpu.memory_space<hbm>>) target_semaphore(%dma_start3A_744 : memref<!tpu.dma_semaphore, #tpu.memory_space<semaphore_mem>>)
      %sub3A_751 = arith.constant 2 : i32
      %sub3A_752 = arith.subi %add3A_716, %sub3A_751 : i32
      %mul3A_753 = arith.constant 400 : i32
      %mul3A_754 = arith.muli %sub3A_752, %mul3A_753 : i32
      %add3A_755 = arith.addi %mul3A_2, %mul3A_754 : i32
      %dma_wait3A_756 = arith.constant 0 : i32
      %dma_wait3A_757 = arith.constant 0 : i32
      %dma_wait3A_758 = arith.constant 0 : i32
      %dma_wait3A_759 = arith.constant 0 : i32
      %dma_wait3A_760 = tpu.memref_slice %arg6[%dma_wait3A_756, %dma_wait3A_758, %dma_wait3A_759] : memref<4x400x64xf32, #tpu.memory_space<vmem>> -> memref<1x400x64xf32, #tpu.memory_space<vmem>>
      %dma_wait3A_761 = tpu.memref_squeeze %dma_wait3A_760 : memref<1x400x64xf32, #tpu.memory_space<vmem>> -> memref<400x64xf32, #tpu.memory_space<vmem>>
      %dma_wait3A_762 = arith.constant 0 : i32
      %dma_wait3A_763 = tpu.memref_slice %arg4[%add3A_755, %dma_wait3A_762] : memref<819200x128xf32, #tpu.memory_space<hbm>> -> memref<400x64xf32, #tpu.memory_space<hbm>>
      %dma_wait3A_764 = tpu.memref_slice %arg8[%dma_wait3A_757] : memref<4x!tpu.dma_semaphore, #tpu.memory_space<semaphore_mem>> -> memref<1x!tpu.dma_semaphore, #tpu.memory_space<semaphore_mem>>
      %dma_wait3A_765 = tpu.memref_squeeze %dma_wait3A_764 : memref<1x!tpu.dma_semaphore, #tpu.memory_space<semaphore_mem>> -> memref<!tpu.dma_semaphore, #tpu.memory_space<semaphore_mem>>
      %dma_wait3A_766 = arith.constant 0 : i32
      %dma_wait3A_767 = tpu.memref_slice %arg4[%add3A_755, %dma_wait3A_766] : memref<819200x128xf32, #tpu.memory_space<hbm>> -> memref<400x64xf32, #tpu.memory_space<hbm>>
      %dma_wait3A_768 = arith.constant 0 : i32
      %dma_wait3A_769 = arith.constant 0 : i32
      %dma_wait3A_770 = tpu.memref_slice %arg6[%dma_wait3A_756, %dma_wait3A_768, %dma_wait3A_769] : memref<4x400x64xf32, #tpu.memory_space<vmem>> -> memref<1x400x64xf32, #tpu.memory_space<vmem>>
      %dma_wait3A_771 = tpu.memref_squeeze %dma_wait3A_770 : memref<1x400x64xf32, #tpu.memory_space<vmem>> -> memref<400x64xf32, #tpu.memory_space<vmem>>
      tpu.wait_dma2 semaphore(%dma_wait3A_765 : memref<!tpu.dma_semaphore, #tpu.memory_space<semaphore_mem>>) src(%dma_wait3A_771 : memref<400x64xf32, #tpu.memory_space<vmem>>) dst(%dma_wait3A_767 : memref<400x64xf32, #tpu.memory_space<hbm>>)
      %add3A_772 = arith.constant 2 : i32
      %add3A_773 = arith.addi %add3A_716, %add3A_772 : i32
      %mul3A_774 = arith.constant 400 : i32
      %mul3A_775 = arith.muli %add3A_773, %mul3A_774 : i32
      %add3A_776 = arith.addi %mul3A_2, %mul3A_775 : i32
      %run_scoped3A_777 = arith.constant 0 : i32
      "tpu.region"() ({
        %run_scoped3A_871 = tpu.sem_alloc : memref<!tpu.dma_semaphore, #tpu.memory_space<semaphore_mem>>
        %dma_start3A_872 = arith.constant 0 : i32
        %dma_start3A_873 = tpu.memref_slice %arg5[%run_scoped3A_777, %dma_start3A_872] : memref<4x400xi32, #tpu.memory_space<vmem>> -> memref<1x400xi32, #tpu.memory_space<vmem>>
        %dma_start3A_874 = tpu.memref_squeeze %dma_start3A_873 : memref<1x400xi32, #tpu.memory_space<vmem>> -> memref<400xi32, #tpu.memory_space<vmem>>
        %dma_start3A_875 = tpu.memref_slice %arg3[%add3A_776] : memref<819200xi32, #tpu.memory_space<hbm>> -> memref<400xi32, #tpu.memory_space<hbm>>
        %dma_start3A_876 = arith.constant 0 : i32
        %dma_start3A_877 = tpu.memref_slice %arg5[%run_scoped3A_777, %dma_start3A_876] : memref<4x400xi32, #tpu.memory_space<vmem>> -> memref<1x400xi32, #tpu.memory_space<vmem>>
        %dma_start3A_878 = tpu.memref_squeeze %dma_start3A_877 : memref<1x400xi32, #tpu.memory_space<vmem>> -> memref<400xi32, #tpu.memory_space<vmem>>
        %dma_start3A_879 = tpu.memref_slice %arg3[%add3A_776] : memref<819200xi32, #tpu.memory_space<hbm>> -> memref<400xi32, #tpu.memory_space<hbm>>
        tpu.enqueue_dma source(%dma_start3A_879 : memref<400xi32, #tpu.memory_space<hbm>>) target(%dma_start3A_878 : memref<400xi32, #tpu.memory_space<vmem>>) target_semaphore(%run_scoped3A_871 : memref<!tpu.dma_semaphore, #tpu.memory_space<semaphore_mem>>)
        %dma_wait3A_880 = arith.constant 0 : i32
        %dma_wait3A_881 = tpu.memref_slice %arg5[%run_scoped3A_777, %dma_wait3A_880] : memref<4x400xi32, #tpu.memory_space<vmem>> -> memref<1x400xi32, #tpu.memory_space<vmem>>
        %dma_wait3A_882 = tpu.memref_squeeze %dma_wait3A_881 : memref<1x400xi32, #tpu.memory_space<vmem>> -> memref<400xi32, #tpu.memory_space<vmem>>
        %dma_wait3A_883 = tpu.memref_slice %arg3[%add3A_776] : memref<819200xi32, #tpu.memory_space<hbm>> -> memref<400xi32, #tpu.memory_space<hbm>>
        %dma_wait3A_884 = arith.constant 0 : i32
        %dma_wait3A_885 = tpu.memref_slice %arg5[%run_scoped3A_777, %dma_wait3A_884] : memref<4x400xi32, #tpu.memory_space<vmem>> -> memref<1x400xi32, #tpu.memory_space<vmem>>
        %dma_wait3A_886 = tpu.memref_squeeze %dma_wait3A_885 : memref<1x400xi32, #tpu.memory_space<vmem>> -> memref<400xi32, #tpu.memory_space<vmem>>
        %dma_wait3A_887 = tpu.memref_slice %arg3[%add3A_776] : memref<819200xi32, #tpu.memory_space<hbm>> -> memref<400xi32, #tpu.memory_space<hbm>>
        tpu.wait_dma2 semaphore(%run_scoped3A_871 : memref<!tpu.dma_semaphore, #tpu.memory_space<semaphore_mem>>) src(%dma_wait3A_887 : memref<400xi32, #tpu.memory_space<hbm>>) dst(%dma_wait3A_886 : memref<400xi32, #tpu.memory_space<vmem>>)
        tpu.yield
      }) : () -> ()
      %dma_start3A_778 = arith.constant 0 : i32
      %dma_start3A_779 = arith.constant 0 : i32
      %dma_start3A_780 = arith.constant 0 : i32
      %dma_start3A_781 = arith.constant 0 : i32
      %dma_start3A_782 = arith.constant 0 : i32
      %dma_start3A_783 = tpu.memref_slice %arg6[%dma_start3A_779, %dma_start3A_781, %dma_start3A_782] : memref<4x400x64xf32, #tpu.memory_space<vmem>> -> memref<1x400x64xf32, #tpu.memory_space<vmem>>
      %dma_start3A_784 = tpu.memref_squeeze %dma_start3A_783 : memref<1x400x64xf32, #tpu.memory_space<vmem>> -> memref<400x64xf32, #tpu.memory_space<vmem>>
      %dma_start3A_785 = arith.constant 0 : i32
      %dma_start3A_786 = tpu.memref_slice %arg5[%dma_start3A_778, %dma_start3A_785] : memref<4x400xi32, #tpu.memory_space<vmem>> -> memref<1x400xi32, #tpu.memory_space<vmem>>
      %dma_start3A_787 = tpu.memref_squeeze %dma_start3A_786 : memref<1x400xi32, #tpu.memory_space<vmem>> -> memref<400xi32, #tpu.memory_space<vmem>>
      %dma_start3A_788 = arith.constant 0 : i32
      %dma_start3A_789 = arith.constant 0 : i32
      %dma_start3A_790 = tpu.memref_slice %arg2[%dma_start3A_788, %dma_start3A_789] : memref<1000000x64xf32, #tpu.memory_space<hbm>> -> memref<1000000x64xf32, #tpu.memory_space<hbm>>
      %dma_start3A_791 = tpu.memref_slice %arg7[%dma_start3A_780] : memref<4x!tpu.dma_semaphore, #tpu.memory_space<semaphore_mem>> -> memref<1x!tpu.dma_semaphore, #tpu.memory_space<semaphore_mem>>
      %dma_start3A_792 = tpu.memref_squeeze %dma_start3A_791 : memref<1x!tpu.dma_semaphore, #tpu.memory_space<semaphore_mem>> -> memref<!tpu.dma_semaphore, #tpu.memory_space<semaphore_mem>>
      tpu.enqueue_indirect_dma source(%dma_start3A_790 : memref<1000000x64xf32, #tpu.memory_space<hbm>>) target(%dma_start3A_784 : memref<400x64xf32, #tpu.memory_space<vmem>>) offsets(%dma_start3A_787 : memref<400xi32, #tpu.memory_space<vmem>>) semaphore(%dma_start3A_792 : memref<!tpu.dma_semaphore, #tpu.memory_space<semaphore_mem>>)
      %add3A_793 = arith.constant 3 : i32
      %add3A_794 = arith.addi %mul3A_559, %add3A_793 : i32
      %dma_wait3A_795 = arith.constant 3 : i32
      %dma_wait3A_796 = arith.constant 3 : i32
      %dma_wait3A_797 = arith.constant 3 : i32
      %dma_wait3A_798 = arith.constant 0 : i32
      %dma_wait3A_799 = arith.constant 0 : i32
      %dma_wait3A_800 = tpu.memref_slice %arg6[%dma_wait3A_796, %dma_wait3A_798, %dma_wait3A_799] : memref<4x400x64xf32, #tpu.memory_space<vmem>> -> memref<1x400x64xf32, #tpu.memory_space<vmem>>
      %dma_wait3A_801 = tpu.memref_squeeze %dma_wait3A_800 : memref<1x400x64xf32, #tpu.memory_space<vmem>> -> memref<400x64xf32, #tpu.memory_space<vmem>>
      %dma_wait3A_802 = arith.constant 0 : i32
      %dma_wait3A_803 = tpu.memref_slice %arg5[%dma_wait3A_795, %dma_wait3A_802] : memref<4x400xi32, #tpu.memory_space<vmem>> -> memref<1x400xi32, #tpu.memory_space<vmem>>
      %dma_wait3A_804 = tpu.memref_squeeze %dma_wait3A_803 : memref<1x400xi32, #tpu.memory_space<vmem>> -> memref<400xi32, #tpu.memory_space<vmem>>
      %dma_wait3A_805 = arith.constant 0 : i32
      %dma_wait3A_806 = arith.constant 0 : i32
      %dma_wait3A_807 = tpu.memref_slice %arg2[%dma_wait3A_805, %dma_wait3A_806] : memref<1000000x64xf32, #tpu.memory_space<hbm>> -> memref<1000000x64xf32, #tpu.memory_space<hbm>>
      %dma_wait3A_808 = tpu.memref_slice %arg7[%dma_wait3A_797] : memref<4x!tpu.dma_semaphore, #tpu.memory_space<semaphore_mem>> -> memref<1x!tpu.dma_semaphore, #tpu.memory_space<semaphore_mem>>
      %dma_wait3A_809 = tpu.memref_squeeze %dma_wait3A_808 : memref<1x!tpu.dma_semaphore, #tpu.memory_space<semaphore_mem>> -> memref<!tpu.dma_semaphore, #tpu.memory_space<semaphore_mem>>
      tpu.wait_indirect_dma semaphore(%dma_wait3A_809 : memref<!tpu.dma_semaphore, #tpu.memory_space<semaphore_mem>>) src(%dma_wait3A_807 : memref<1000000x64xf32, #tpu.memory_space<hbm>>) dst(%dma_wait3A_801 : memref<400x64xf32, #tpu.memory_space<vmem>>)
      %mul3A_810 = arith.constant 400 : i32
      %mul3A_811 = arith.muli %add3A_794, %mul3A_810 : i32
      %add3A_812 = arith.addi %mul3A_2, %mul3A_811 : i32
      %dma_start3A_813 = arith.constant 3 : i32
      %dma_start3A_814 = arith.constant 3 : i32
      %dma_start3A_815 = arith.constant 0 : i32
      %dma_start3A_816 = arith.constant 0 : i32
      %dma_start3A_817 = tpu.memref_slice %arg6[%dma_start3A_813, %dma_start3A_815, %dma_start3A_816] : memref<4x400x64xf32, #tpu.memory_space<vmem>> -> memref<1x400x64xf32, #tpu.memory_space<vmem>>
      %dma_start3A_818 = tpu.memref_squeeze %dma_start3A_817 : memref<1x400x64xf32, #tpu.memory_space<vmem>> -> memref<400x64xf32, #tpu.memory_space<vmem>>
      %dma_start3A_819 = arith.constant 0 : i32
      %dma_start3A_820 = tpu.memref_slice %arg4[%add3A_812, %dma_start3A_819] : memref<819200x128xf32, #tpu.memory_space<hbm>> -> memref<400x64xf32, #tpu.memory_space<hbm>>
      %dma_start3A_821 = tpu.memref_slice %arg8[%dma_start3A_814] : memref<4x!tpu.dma_semaphore, #tpu.memory_space<semaphore_mem>> -> memref<1x!tpu.dma_semaphore, #tpu.memory_space<semaphore_mem>>
      %dma_start3A_822 = tpu.memref_squeeze %dma_start3A_821 : memref<1x!tpu.dma_semaphore, #tpu.memory_space<semaphore_mem>> -> memref<!tpu.dma_semaphore, #tpu.memory_space<semaphore_mem>>
      %dma_start3A_823 = arith.constant 0 : i32
      %dma_start3A_824 = tpu.memref_slice %arg4[%add3A_812, %dma_start3A_823] : memref<819200x128xf32, #tpu.memory_space<hbm>> -> memref<400x64xf32, #tpu.memory_space<hbm>>
      %dma_start3A_825 = arith.constant 0 : i32
      %dma_start3A_826 = arith.constant 0 : i32
      %dma_start3A_827 = tpu.memref_slice %arg6[%dma_start3A_813, %dma_start3A_825, %dma_start3A_826] : memref<4x400x64xf32, #tpu.memory_space<vmem>> -> memref<1x400x64xf32, #tpu.memory_space<vmem>>
      %dma_start3A_828 = tpu.memref_squeeze %dma_start3A_827 : memref<1x400x64xf32, #tpu.memory_space<vmem>> -> memref<400x64xf32, #tpu.memory_space<vmem>>
      tpu.enqueue_dma source(%dma_start3A_828 : memref<400x64xf32, #tpu.memory_space<vmem>>) target(%dma_start3A_824 : memref<400x64xf32, #tpu.memory_space<hbm>>) target_semaphore(%dma_start3A_822 : memref<!tpu.dma_semaphore, #tpu.memory_space<semaphore_mem>>)
      %sub3A_829 = arith.constant 2 : i32
      %sub3A_830 = arith.subi %add3A_794, %sub3A_829 : i32
      %mul3A_831 = arith.constant 400 : i32
      %mul3A_832 = arith.muli %sub3A_830, %mul3A_831 : i32
      %add3A_833 = arith.addi %mul3A_2, %mul3A_832 : i32
      %dma_wait3A_834 = arith.constant 1 : i32
      %dma_wait3A_835 = arith.constant 1 : i32
      %dma_wait3A_836 = arith.constant 0 : i32
      %dma_wait3A_837 = arith.constant 0 : i32
      %dma_wait3A_838 = tpu.memref_slice %arg6[%dma_wait3A_834, %dma_wait3A_836, %dma_wait3A_837] : memref<4x400x64xf32, #tpu.memory_space<vmem>> -> memref<1x400x64xf32, #tpu.memory_space<vmem>>
      %dma_wait3A_839 = tpu.memref_squeeze %dma_wait3A_838 : memref<1x400x64xf32, #tpu.memory_space<vmem>> -> memref<400x64xf32, #tpu.memory_space<vmem>>
      %dma_wait3A_840 = arith.constant 0 : i32
      %dma_wait3A_841 = tpu.memref_slice %arg4[%add3A_833, %dma_wait3A_840] : memref<819200x128xf32, #tpu.memory_space<hbm>> -> memref<400x64xf32, #tpu.memory_space<hbm>>
      %dma_wait3A_842 = tpu.memref_slice %arg8[%dma_wait3A_835] : memref<4x!tpu.dma_semaphore, #tpu.memory_space<semaphore_mem>> -> memref<1x!tpu.dma_semaphore, #tpu.memory_space<semaphore_mem>>
      %dma_wait3A_843 = tpu.memref_squeeze %dma_wait3A_842 : memref<1x!tpu.dma_semaphore, #tpu.memory_space<semaphore_mem>> -> memref<!tpu.dma_semaphore, #tpu.memory_space<semaphore_mem>>
      %dma_wait3A_844 = arith.constant 0 : i32
      %dma_wait3A_845 = tpu.memref_slice %arg4[%add3A_833, %dma_wait3A_844] : memref<819200x128xf32, #tpu.memory_space<hbm>> -> memref<400x64xf32, #tpu.memory_space<hbm>>
      %dma_wait3A_846 = arith.constant 0 : i32
      %dma_wait3A_847 = arith.constant 0 : i32
      %dma_wait3A_848 = tpu.memref_slice %arg6[%dma_wait3A_834, %dma_wait3A_846, %dma_wait3A_847] : memref<4x400x64xf32, #tpu.memory_space<vmem>> -> memref<1x400x64xf32, #tpu.memory_space<vmem>>
      %dma_wait3A_849 = tpu.memref_squeeze %dma_wait3A_848 : memref<1x400x64xf32, #tpu.memory_space<vmem>> -> memref<400x64xf32, #tpu.memory_space<vmem>>
      tpu.wait_dma2 semaphore(%dma_wait3A_843 : memref<!tpu.dma_semaphore, #tpu.memory_space<semaphore_mem>>) src(%dma_wait3A_849 : memref<400x64xf32, #tpu.memory_space<vmem>>) dst(%dma_wait3A_845 : memref<400x64xf32, #tpu.memory_space<hbm>>)
      %add3A_850 = arith.constant 2 : i32
      %add3A_851 = arith.addi %add3A_794, %add3A_850 : i32
      %mul3A_852 = arith.constant 400 : i32
      %mul3A_853 = arith.muli %add3A_851, %mul3A_852 : i32
      %add3A_854 = arith.addi %mul3A_2, %mul3A_853 : i32
      %run_scoped3A_855 = arith.constant 1 : i32
      "tpu.region"() ({
        %run_scoped3A_871 = tpu.sem_alloc : memref<!tpu.dma_semaphore, #tpu.memory_space<semaphore_mem>>
        %dma_start3A_872 = arith.constant 0 : i32
        %dma_start3A_873 = tpu.memref_slice %arg5[%run_scoped3A_855, %dma_start3A_872] : memref<4x400xi32, #tpu.memory_space<vmem>> -> memref<1x400xi32, #tpu.memory_space<vmem>>
        %dma_start3A_874 = tpu.memref_squeeze %dma_start3A_873 : memref<1x400xi32, #tpu.memory_space<vmem>> -> memref<400xi32, #tpu.memory_space<vmem>>
        %dma_start3A_875 = tpu.memref_slice %arg3[%add3A_854] : memref<819200xi32, #tpu.memory_space<hbm>> -> memref<400xi32, #tpu.memory_space<hbm>>
        %dma_start3A_876 = arith.constant 0 : i32
        %dma_start3A_877 = tpu.memref_slice %arg5[%run_scoped3A_855, %dma_start3A_876] : memref<4x400xi32, #tpu.memory_space<vmem>> -> memref<1x400xi32, #tpu.memory_space<vmem>>
        %dma_start3A_878 = tpu.memref_squeeze %dma_start3A_877 : memref<1x400xi32, #tpu.memory_space<vmem>> -> memref<400xi32, #tpu.memory_space<vmem>>
        %dma_start3A_879 = tpu.memref_slice %arg3[%add3A_854] : memref<819200xi32, #tpu.memory_space<hbm>> -> memref<400xi32, #tpu.memory_space<hbm>>
        tpu.enqueue_dma source(%dma_start3A_879 : memref<400xi32, #tpu.memory_space<hbm>>) target(%dma_start3A_878 : memref<400xi32, #tpu.memory_space<vmem>>) target_semaphore(%run_scoped3A_871 : memref<!tpu.dma_semaphore, #tpu.memory_space<semaphore_mem>>)
        %dma_wait3A_880 = arith.constant 0 : i32
        %dma_wait3A_881 = tpu.memref_slice %arg5[%run_scoped3A_855, %dma_wait3A_880] : memref<4x400xi32, #tpu.memory_space<vmem>> -> memref<1x400xi32, #tpu.memory_space<vmem>>
        %dma_wait3A_882 = tpu.memref_squeeze %dma_wait3A_881 : memref<1x400xi32, #tpu.memory_space<vmem>> -> memref<400xi32, #tpu.memory_space<vmem>>
        %dma_wait3A_883 = tpu.memref_slice %arg3[%add3A_854] : memref<819200xi32, #tpu.memory_space<hbm>> -> memref<400xi32, #tpu.memory_space<hbm>>
        %dma_wait3A_884 = arith.constant 0 : i32
        %dma_wait3A_885 = tpu.memref_slice %arg5[%run_scoped3A_855, %dma_wait3A_884] : memref<4x400xi32, #tpu.memory_space<vmem>> -> memref<1x400xi32, #tpu.memory_space<vmem>>
        %dma_wait3A_886 = tpu.memref_squeeze %dma_wait3A_885 : memref<1x400xi32, #tpu.memory_space<vmem>> -> memref<400xi32, #tpu.memory_space<vmem>>
        %dma_wait3A_887 = tpu.memref_slice %arg3[%add3A_854] : memref<819200xi32, #tpu.memory_space<hbm>> -> memref<400xi32, #tpu.memory_space<hbm>>
        tpu.wait_dma2 semaphore(%run_scoped3A_871 : memref<!tpu.dma_semaphore, #tpu.memory_space<semaphore_mem>>) src(%dma_wait3A_887 : memref<400xi32, #tpu.memory_space<hbm>>) dst(%dma_wait3A_886 : memref<400xi32, #tpu.memory_space<vmem>>)
        tpu.yield
      }) : () -> ()
      %dma_start3A_856 = arith.constant 1 : i32
      %dma_start3A_857 = arith.constant 1 : i32
      %dma_start3A_858 = arith.constant 1 : i32
      %dma_start3A_859 = arith.constant 0 : i32
      %dma_start3A_860 = arith.constant 0 : i32
      %dma_start3A_861 = tpu.memref_slice %arg6[%dma_start3A_857, %dma_start3A_859, %dma_start3A_860] : memref<4x400x64xf32, #tpu.memory_space<vmem>> -> memref<1x400x64xf32, #tpu.memory_space<vmem>>
      %dma_start3A_862 = tpu.memref_squeeze %dma_start3A_861 : memref<1x400x64xf32, #tpu.memory_space<vmem>> -> memref<400x64xf32, #tpu.memory_space<vmem>>
      %dma_start3A_863 = arith.constant 0 : i32
      %dma_start3A_864 = tpu.memref_slice %arg5[%dma_start3A_856, %dma_start3A_863] : memref<4x400xi32, #tpu.memory_space<vmem>> -> memref<1x400xi32, #tpu.memory_space<vmem>>
      %dma_start3A_865 = tpu.memref_squeeze %dma_start3A_864 : memref<1x400xi32, #tpu.memory_space<vmem>> -> memref<400xi32, #tpu.memory_space<vmem>>
      %dma_start3A_866 = arith.constant 0 : i32
      %dma_start3A_867 = arith.constant 0 : i32
      %dma_start3A_868 = tpu.memref_slice %arg2[%dma_start3A_866, %dma_start3A_867] : memref<1000000x64xf32, #tpu.memory_space<hbm>> -> memref<1000000x64xf32, #tpu.memory_space<hbm>>
      %dma_start3A_869 = tpu.memref_slice %arg7[%dma_start3A_858] : memref<4x!tpu.dma_semaphore, #tpu.memory_space<semaphore_mem>> -> memref<1x!tpu.dma_semaphore, #tpu.memory_space<semaphore_mem>>
      %dma_start3A_870 = tpu.memref_squeeze %dma_start3A_869 : memref<1x!tpu.dma_semaphore, #tpu.memory_space<semaphore_mem>> -> memref<!tpu.dma_semaphore, #tpu.memory_space<semaphore_mem>>
      tpu.enqueue_indirect_dma source(%dma_start3A_868 : memref<1000000x64xf32, #tpu.memory_space<hbm>>) target(%dma_start3A_862 : memref<400x64xf32, #tpu.memory_space<vmem>>) offsets(%dma_start3A_865 : memref<400xi32, #tpu.memory_space<vmem>>) semaphore(%dma_start3A_870 : memref<!tpu.dma_semaphore, #tpu.memory_space<semaphore_mem>>)
    }
    %scan3A_280 = arith.constant 14 : i32
    %dma_wait3A_281 = arith.constant 0 : i32
    %dma_wait3A_282 = arith.constant 0 : i32
    %dma_wait3A_283 = arith.constant 0 : i32
    %dma_wait3A_284 = arith.constant 0 : i32
    %dma_wait3A_285 = arith.constant 0 : i32
    %dma_wait3A_286 = tpu.memref_slice %arg6[%dma_wait3A_282, %dma_wait3A_284, %dma_wait3A_285] : memref<4x400x64xf32, #tpu.memory_space<vmem>> -> memref<1x400x64xf32, #tpu.memory_space<vmem>>
    %dma_wait3A_287 = tpu.memref_squeeze %dma_wait3A_286 : memref<1x400x64xf32, #tpu.memory_space<vmem>> -> memref<400x64xf32, #tpu.memory_space<vmem>>
    %dma_wait3A_288 = arith.constant 0 : i32
    %dma_wait3A_289 = tpu.memref_slice %arg5[%dma_wait3A_281, %dma_wait3A_288] : memref<4x400xi32, #tpu.memory_space<vmem>> -> memref<1x400xi32, #tpu.memory_space<vmem>>
    %dma_wait3A_290 = tpu.memref_squeeze %dma_wait3A_289 : memref<1x400xi32, #tpu.memory_space<vmem>> -> memref<400xi32, #tpu.memory_space<vmem>>
    %dma_wait3A_291 = arith.constant 0 : i32
    %dma_wait3A_292 = arith.constant 0 : i32
    %dma_wait3A_293 = tpu.memref_slice %arg2[%dma_wait3A_291, %dma_wait3A_292] : memref<1000000x64xf32, #tpu.memory_space<hbm>> -> memref<1000000x64xf32, #tpu.memory_space<hbm>>
    %dma_wait3A_294 = tpu.memref_slice %arg7[%dma_wait3A_283] : memref<4x!tpu.dma_semaphore, #tpu.memory_space<semaphore_mem>> -> memref<1x!tpu.dma_semaphore, #tpu.memory_space<semaphore_mem>>
    %dma_wait3A_295 = tpu.memref_squeeze %dma_wait3A_294 : memref<1x!tpu.dma_semaphore, #tpu.memory_space<semaphore_mem>> -> memref<!tpu.dma_semaphore, #tpu.memory_space<semaphore_mem>>
    tpu.wait_indirect_dma semaphore(%dma_wait3A_295 : memref<!tpu.dma_semaphore, #tpu.memory_space<semaphore_mem>>) src(%dma_wait3A_293 : memref<1000000x64xf32, #tpu.memory_space<hbm>>) dst(%dma_wait3A_287 : memref<400x64xf32, #tpu.memory_space<vmem>>)
    %add3A_296 = arith.constant 24000 : i32
    %add3A_297 = arith.addi %mul3A_2, %add3A_296 : i32
    %dma_start3A_298 = arith.constant 0 : i32
    %dma_start3A_299 = arith.constant 0 : i32
    %dma_start3A_300 = arith.constant 0 : i32
    %dma_start3A_301 = arith.constant 0 : i32
    %dma_start3A_302 = tpu.memref_slice %arg6[%dma_start3A_298, %dma_start3A_300, %dma_start3A_301] : memref<4x400x64xf32, #tpu.memory_space<vmem>> -> memref<1x400x64xf32, #tpu.memory_space<vmem>>
    %dma_start3A_303 = tpu.memref_squeeze %dma_start3A_302 : memref<1x400x64xf32, #tpu.memory_space<vmem>> -> memref<400x64xf32, #tpu.memory_space<vmem>>
    %dma_start3A_304 = arith.constant 0 : i32
    %dma_start3A_305 = tpu.memref_slice %arg4[%add3A_297, %dma_start3A_304] : memref<819200x128xf32, #tpu.memory_space<hbm>> -> memref<400x64xf32, #tpu.memory_space<hbm>>
    %dma_start3A_306 = tpu.memref_slice %arg8[%dma_start3A_299] : memref<4x!tpu.dma_semaphore, #tpu.memory_space<semaphore_mem>> -> memref<1x!tpu.dma_semaphore, #tpu.memory_space<semaphore_mem>>
    %dma_start3A_307 = tpu.memref_squeeze %dma_start3A_306 : memref<1x!tpu.dma_semaphore, #tpu.memory_space<semaphore_mem>> -> memref<!tpu.dma_semaphore, #tpu.memory_space<semaphore_mem>>
    %dma_start3A_308 = arith.constant 0 : i32
    %dma_start3A_309 = tpu.memref_slice %arg4[%add3A_297, %dma_start3A_308] : memref<819200x128xf32, #tpu.memory_space<hbm>> -> memref<400x64xf32, #tpu.memory_space<hbm>>
    %dma_start3A_310 = arith.constant 0 : i32
    %dma_start3A_311 = arith.constant 0 : i32
    %dma_start3A_312 = tpu.memref_slice %arg6[%dma_start3A_298, %dma_start3A_310, %dma_start3A_311] : memref<4x400x64xf32, #tpu.memory_space<vmem>> -> memref<1x400x64xf32, #tpu.memory_space<vmem>>
    %dma_start3A_313 = tpu.memref_squeeze %dma_start3A_312 : memref<1x400x64xf32, #tpu.memory_space<vmem>> -> memref<400x64xf32, #tpu.memory_space<vmem>>
    tpu.enqueue_dma source(%dma_start3A_313 : memref<400x64xf32, #tpu.memory_space<vmem>>) target(%dma_start3A_309 : memref<400x64xf32, #tpu.memory_space<hbm>>) target_semaphore(%dma_start3A_307 : memref<!tpu.dma_semaphore, #tpu.memory_space<semaphore_mem>>)
    %add3A_314 = arith.constant 23200 : i32
    %add3A_315 = arith.addi %mul3A_2, %add3A_314 : i32
    %dma_wait3A_316 = arith.constant 2 : i32
    %dma_wait3A_317 = arith.constant 2 : i32
    %dma_wait3A_318 = arith.constant 0 : i32
    %dma_wait3A_319 = arith.constant 0 : i32
    %dma_wait3A_320 = tpu.memref_slice %arg6[%dma_wait3A_316, %dma_wait3A_318, %dma_wait3A_319] : memref<4x400x64xf32, #tpu.memory_space<vmem>> -> memref<1x400x64xf32, #tpu.memory_space<vmem>>
    %dma_wait3A_321 = tpu.memref_squeeze %dma_wait3A_320 : memref<1x400x64xf32, #tpu.memory_space<vmem>> -> memref<400x64xf32, #tpu.memory_space<vmem>>
    %dma_wait3A_322 = arith.constant 0 : i32
    %dma_wait3A_323 = tpu.memref_slice %arg4[%add3A_315, %dma_wait3A_322] : memref<819200x128xf32, #tpu.memory_space<hbm>> -> memref<400x64xf32, #tpu.memory_space<hbm>>
    %dma_wait3A_324 = tpu.memref_slice %arg8[%dma_wait3A_317] : memref<4x!tpu.dma_semaphore, #tpu.memory_space<semaphore_mem>> -> memref<1x!tpu.dma_semaphore, #tpu.memory_space<semaphore_mem>>
    %dma_wait3A_325 = tpu.memref_squeeze %dma_wait3A_324 : memref<1x!tpu.dma_semaphore, #tpu.memory_space<semaphore_mem>> -> memref<!tpu.dma_semaphore, #tpu.memory_space<semaphore_mem>>
    %dma_wait3A_326 = arith.constant 0 : i32
    %dma_wait3A_327 = tpu.memref_slice %arg4[%add3A_315, %dma_wait3A_326] : memref<819200x128xf32, #tpu.memory_space<hbm>> -> memref<400x64xf32, #tpu.memory_space<hbm>>
    %dma_wait3A_328 = arith.constant 0 : i32
    %dma_wait3A_329 = arith.constant 0 : i32
    %dma_wait3A_330 = tpu.memref_slice %arg6[%dma_wait3A_316, %dma_wait3A_328, %dma_wait3A_329] : memref<4x400x64xf32, #tpu.memory_space<vmem>> -> memref<1x400x64xf32, #tpu.memory_space<vmem>>
    %dma_wait3A_331 = tpu.memref_squeeze %dma_wait3A_330 : memref<1x400x64xf32, #tpu.memory_space<vmem>> -> memref<400x64xf32, #tpu.memory_space<vmem>>
    tpu.wait_dma2 semaphore(%dma_wait3A_325 : memref<!tpu.dma_semaphore, #tpu.memory_space<semaphore_mem>>) src(%dma_wait3A_331 : memref<400x64xf32, #tpu.memory_space<vmem>>) dst(%dma_wait3A_327 : memref<400x64xf32, #tpu.memory_space<hbm>>)
    %add3A_332 = arith.constant 24800 : i32
    %add3A_333 = arith.addi %mul3A_2, %add3A_332 : i32
    %run_scoped3A_334 = arith.constant 2 : i32
    "tpu.region"() ({
      %run_scoped3A_557 = tpu.sem_alloc : memref<!tpu.dma_semaphore, #tpu.memory_space<semaphore_mem>>
      %dma_start3A_558 = arith.constant 0 : i32
      %dma_start3A_559 = tpu.memref_slice %arg5[%run_scoped3A_334, %dma_start3A_558] : memref<4x400xi32, #tpu.memory_space<vmem>> -> memref<1x400xi32, #tpu.memory_space<vmem>>
      %dma_start3A_560 = tpu.memref_squeeze %dma_start3A_559 : memref<1x400xi32, #tpu.memory_space<vmem>> -> memref<400xi32, #tpu.memory_space<vmem>>
      %dma_start3A_561 = tpu.memref_slice %arg3[%add3A_333] : memref<819200xi32, #tpu.memory_space<hbm>> -> memref<400xi32, #tpu.memory_space<hbm>>
      %dma_start3A_562 = arith.constant 0 : i32
      %dma_start3A_563 = tpu.memref_slice %arg5[%run_scoped3A_334, %dma_start3A_562] : memref<4x400xi32, #tpu.memory_space<vmem>> -> memref<1x400xi32, #tpu.memory_space<vmem>>
      %dma_start3A_564 = tpu.memref_squeeze %dma_start3A_563 : memref<1x400xi32, #tpu.memory_space<vmem>> -> memref<400xi32, #tpu.memory_space<vmem>>
      %dma_start3A_565 = tpu.memref_slice %arg3[%add3A_333] : memref<819200xi32, #tpu.memory_space<hbm>> -> memref<400xi32, #tpu.memory_space<hbm>>
      tpu.enqueue_dma source(%dma_start3A_565 : memref<400xi32, #tpu.memory_space<hbm>>) target(%dma_start3A_564 : memref<400xi32, #tpu.memory_space<vmem>>) target_semaphore(%run_scoped3A_557 : memref<!tpu.dma_semaphore, #tpu.memory_space<semaphore_mem>>)
      %dma_wait3A_566 = arith.constant 0 : i32
      %dma_wait3A_567 = tpu.memref_slice %arg5[%run_scoped3A_334, %dma_wait3A_566] : memref<4x400xi32, #tpu.memory_space<vmem>> -> memref<1x400xi32, #tpu.memory_space<vmem>>
      %dma_wait3A_568 = tpu.memref_squeeze %dma_wait3A_567 : memref<1x400xi32, #tpu.memory_space<vmem>> -> memref<400xi32, #tpu.memory_space<vmem>>
      %dma_wait3A_569 = tpu.memref_slice %arg3[%add3A_333] : memref<819200xi32, #tpu.memory_space<hbm>> -> memref<400xi32, #tpu.memory_space<hbm>>
      %dma_wait3A_570 = arith.constant 0 : i32
      %dma_wait3A_571 = tpu.memref_slice %arg5[%run_scoped3A_334, %dma_wait3A_570] : memref<4x400xi32, #tpu.memory_space<vmem>> -> memref<1x400xi32, #tpu.memory_space<vmem>>
      %dma_wait3A_572 = tpu.memref_squeeze %dma_wait3A_571 : memref<1x400xi32, #tpu.memory_space<vmem>> -> memref<400xi32, #tpu.memory_space<vmem>>
      %dma_wait3A_573 = tpu.memref_slice %arg3[%add3A_333] : memref<819200xi32, #tpu.memory_space<hbm>> -> memref<400xi32, #tpu.memory_space<hbm>>
      tpu.wait_dma2 semaphore(%run_scoped3A_557 : memref<!tpu.dma_semaphore, #tpu.memory_space<semaphore_mem>>) src(%dma_wait3A_573 : memref<400xi32, #tpu.memory_space<hbm>>) dst(%dma_wait3A_572 : memref<400xi32, #tpu.memory_space<vmem>>)
      tpu.yield
    }) : () -> ()
    %dma_start3A_335 = arith.constant 2 : i32
    %dma_start3A_336 = arith.constant 2 : i32
    %dma_start3A_337 = arith.constant 2 : i32
    %dma_start3A_338 = arith.constant 0 : i32
    %dma_start3A_339 = arith.constant 0 : i32
    %dma_start3A_340 = tpu.memref_slice %arg6[%dma_start3A_336, %dma_start3A_338, %dma_start3A_339] : memref<4x400x64xf32, #tpu.memory_space<vmem>> -> memref<1x400x64xf32, #tpu.memory_space<vmem>>
    %dma_start3A_341 = tpu.memref_squeeze %dma_start3A_340 : memref<1x400x64xf32, #tpu.memory_space<vmem>> -> memref<400x64xf32, #tpu.memory_space<vmem>>
    %dma_start3A_342 = arith.constant 0 : i32
    %dma_start3A_343 = tpu.memref_slice %arg5[%dma_start3A_335, %dma_start3A_342] : memref<4x400xi32, #tpu.memory_space<vmem>> -> memref<1x400xi32, #tpu.memory_space<vmem>>
    %dma_start3A_344 = tpu.memref_squeeze %dma_start3A_343 : memref<1x400xi32, #tpu.memory_space<vmem>> -> memref<400xi32, #tpu.memory_space<vmem>>
    %dma_start3A_345 = arith.constant 0 : i32
    %dma_start3A_346 = arith.constant 0 : i32
    %dma_start3A_347 = tpu.memref_slice %arg2[%dma_start3A_345, %dma_start3A_346] : memref<1000000x64xf32, #tpu.memory_space<hbm>> -> memref<1000000x64xf32, #tpu.memory_space<hbm>>
    %dma_start3A_348 = tpu.memref_slice %arg7[%dma_start3A_337] : memref<4x!tpu.dma_semaphore, #tpu.memory_space<semaphore_mem>> -> memref<1x!tpu.dma_semaphore, #tpu.memory_space<semaphore_mem>>
    %dma_start3A_349 = tpu.memref_squeeze %dma_start3A_348 : memref<1x!tpu.dma_semaphore, #tpu.memory_space<semaphore_mem>> -> memref<!tpu.dma_semaphore, #tpu.memory_space<semaphore_mem>>
    tpu.enqueue_indirect_dma source(%dma_start3A_347 : memref<1000000x64xf32, #tpu.memory_space<hbm>>) target(%dma_start3A_341 : memref<400x64xf32, #tpu.memory_space<vmem>>) offsets(%dma_start3A_344 : memref<400xi32, #tpu.memory_space<vmem>>) semaphore(%dma_start3A_349 : memref<!tpu.dma_semaphore, #tpu.memory_space<semaphore_mem>>)
    %dma_wait3A_350 = arith.constant 1 : i32
    %dma_wait3A_351 = arith.constant 1 : i32
    %dma_wait3A_352 = arith.constant 1 : i32
    %dma_wait3A_353 = arith.constant 0 : i32
    %dma_wait3A_354 = arith.constant 0 : i32
    %dma_wait3A_355 = tpu.memref_slice %arg6[%dma_wait3A_351, %dma_wait3A_353, %dma_wait3A_354] : memref<4x400x64xf32, #tpu.memory_space<vmem>> -> memref<1x400x64xf32, #tpu.memory_space<vmem>>
    %dma_wait3A_356 = tpu.memref_squeeze %dma_wait3A_355 : memref<1x400x64xf32, #tpu.memory_space<vmem>> -> memref<400x64xf32, #tpu.memory_space<vmem>>
    %dma_wait3A_357 = arith.constant 0 : i32
    %dma_wait3A_358 = tpu.memref_slice %arg5[%dma_wait3A_350, %dma_wait3A_357] : memref<4x400xi32, #tpu.memory_space<vmem>> -> memref<1x400xi32, #tpu.memory_space<vmem>>
    %dma_wait3A_359 = tpu.memref_squeeze %dma_wait3A_358 : memref<1x400xi32, #tpu.memory_space<vmem>> -> memref<400xi32, #tpu.memory_space<vmem>>
    %dma_wait3A_360 = arith.constant 0 : i32
    %dma_wait3A_361 = arith.constant 0 : i32
    %dma_wait3A_362 = tpu.memref_slice %arg2[%dma_wait3A_360, %dma_wait3A_361] : memref<1000000x64xf32, #tpu.memory_space<hbm>> -> memref<1000000x64xf32, #tpu.memory_space<hbm>>
    %dma_wait3A_363 = tpu.memref_slice %arg7[%dma_wait3A_352] : memref<4x!tpu.dma_semaphore, #tpu.memory_space<semaphore_mem>> -> memref<1x!tpu.dma_semaphore, #tpu.memory_space<semaphore_mem>>
    %dma_wait3A_364 = tpu.memref_squeeze %dma_wait3A_363 : memref<1x!tpu.dma_semaphore, #tpu.memory_space<semaphore_mem>> -> memref<!tpu.dma_semaphore, #tpu.memory_space<semaphore_mem>>
    tpu.wait_indirect_dma semaphore(%dma_wait3A_364 : memref<!tpu.dma_semaphore, #tpu.memory_space<semaphore_mem>>) src(%dma_wait3A_362 : memref<1000000x64xf32, #tpu.memory_space<hbm>>) dst(%dma_wait3A_356 : memref<400x64xf32, #tpu.memory_space<vmem>>)
    %add3A_365 = arith.constant 24400 : i32
    %add3A_366 = arith.addi %mul3A_2, %add3A_365 : i32
    %dma_start3A_367 = arith.constant 1 : i32
    %dma_start3A_368 = arith.constant 1 : i32
    %dma_start3A_369 = arith.constant 0 : i32
    %dma_start3A_370 = arith.constant 0 : i32
    %dma_start3A_371 = tpu.memref_slice %arg6[%dma_start3A_367, %dma_start3A_369, %dma_start3A_370] : memref<4x400x64xf32, #tpu.memory_space<vmem>> -> memref<1x400x64xf32, #tpu.memory_space<vmem>>
    %dma_start3A_372 = tpu.memref_squeeze %dma_start3A_371 : memref<1x400x64xf32, #tpu.memory_space<vmem>> -> memref<400x64xf32, #tpu.memory_space<vmem>>
    %dma_start3A_373 = arith.constant 0 : i32
    %dma_start3A_374 = tpu.memref_slice %arg4[%add3A_366, %dma_start3A_373] : memref<819200x128xf32, #tpu.memory_space<hbm>> -> memref<400x64xf32, #tpu.memory_space<hbm>>
    %dma_start3A_375 = tpu.memref_slice %arg8[%dma_start3A_368] : memref<4x!tpu.dma_semaphore, #tpu.memory_space<semaphore_mem>> -> memref<1x!tpu.dma_semaphore, #tpu.memory_space<semaphore_mem>>
    %dma_start3A_376 = tpu.memref_squeeze %dma_start3A_375 : memref<1x!tpu.dma_semaphore, #tpu.memory_space<semaphore_mem>> -> memref<!tpu.dma_semaphore, #tpu.memory_space<semaphore_mem>>
    %dma_start3A_377 = arith.constant 0 : i32
    %dma_start3A_378 = tpu.memref_slice %arg4[%add3A_366, %dma_start3A_377] : memref<819200x128xf32, #tpu.memory_space<hbm>> -> memref<400x64xf32, #tpu.memory_space<hbm>>
    %dma_start3A_379 = arith.constant 0 : i32
    %dma_start3A_380 = arith.constant 0 : i32
    %dma_start3A_381 = tpu.memref_slice %arg6[%dma_start3A_367, %dma_start3A_379, %dma_start3A_380] : memref<4x400x64xf32, #tpu.memory_space<vmem>> -> memref<1x400x64xf32, #tpu.memory_space<vmem>>
    %dma_start3A_382 = tpu.memref_squeeze %dma_start3A_381 : memref<1x400x64xf32, #tpu.memory_space<vmem>> -> memref<400x64xf32, #tpu.memory_space<vmem>>
    tpu.enqueue_dma source(%dma_start3A_382 : memref<400x64xf32, #tpu.memory_space<vmem>>) target(%dma_start3A_378 : memref<400x64xf32, #tpu.memory_space<hbm>>) target_semaphore(%dma_start3A_376 : memref<!tpu.dma_semaphore, #tpu.memory_space<semaphore_mem>>)
    %add3A_383 = arith.constant 23600 : i32
    %add3A_384 = arith.addi %mul3A_2, %add3A_383 : i32
    %dma_wait3A_385 = arith.constant 3 : i32
    %dma_wait3A_386 = arith.constant 3 : i32
    %dma_wait3A_387 = arith.constant 0 : i32
    %dma_wait3A_388 = arith.constant 0 : i32
    %dma_wait3A_389 = tpu.memref_slice %arg6[%dma_wait3A_385, %dma_wait3A_387, %dma_wait3A_388] : memref<4x400x64xf32, #tpu.memory_space<vmem>> -> memref<1x400x64xf32, #tpu.memory_space<vmem>>
    %dma_wait3A_390 = tpu.memref_squeeze %dma_wait3A_389 : memref<1x400x64xf32, #tpu.memory_space<vmem>> -> memref<400x64xf32, #tpu.memory_space<vmem>>
    %dma_wait3A_391 = arith.constant 0 : i32
    %dma_wait3A_392 = tpu.memref_slice %arg4[%add3A_384, %dma_wait3A_391] : memref<819200x128xf32, #tpu.memory_space<hbm>> -> memref<400x64xf32, #tpu.memory_space<hbm>>
    %dma_wait3A_393 = tpu.memref_slice %arg8[%dma_wait3A_386] : memref<4x!tpu.dma_semaphore, #tpu.memory_space<semaphore_mem>> -> memref<1x!tpu.dma_semaphore, #tpu.memory_space<semaphore_mem>>
    %dma_wait3A_394 = tpu.memref_squeeze %dma_wait3A_393 : memref<1x!tpu.dma_semaphore, #tpu.memory_space<semaphore_mem>> -> memref<!tpu.dma_semaphore, #tpu.memory_space<semaphore_mem>>
    %dma_wait3A_395 = arith.constant 0 : i32
    %dma_wait3A_396 = tpu.memref_slice %arg4[%add3A_384, %dma_wait3A_395] : memref<819200x128xf32, #tpu.memory_space<hbm>> -> memref<400x64xf32, #tpu.memory_space<hbm>>
    %dma_wait3A_397 = arith.constant 0 : i32
    %dma_wait3A_398 = arith.constant 0 : i32
    %dma_wait3A_399 = tpu.memref_slice %arg6[%dma_wait3A_385, %dma_wait3A_397, %dma_wait3A_398] : memref<4x400x64xf32, #tpu.memory_space<vmem>> -> memref<1x400x64xf32, #tpu.memory_space<vmem>>
    %dma_wait3A_400 = tpu.memref_squeeze %dma_wait3A_399 : memref<1x400x64xf32, #tpu.memory_space<vmem>> -> memref<400x64xf32, #tpu.memory_space<vmem>>
    tpu.wait_dma2 semaphore(%dma_wait3A_394 : memref<!tpu.dma_semaphore, #tpu.memory_space<semaphore_mem>>) src(%dma_wait3A_400 : memref<400x64xf32, #tpu.memory_space<vmem>>) dst(%dma_wait3A_396 : memref<400x64xf32, #tpu.memory_space<hbm>>)
    %add3A_401 = arith.constant 25200 : i32
    %add3A_402 = arith.addi %mul3A_2, %add3A_401 : i32
    %run_scoped3A_403 = arith.constant 3 : i32
    "tpu.region"() ({
      %run_scoped3A_557 = tpu.sem_alloc : memref<!tpu.dma_semaphore, #tpu.memory_space<semaphore_mem>>
      %dma_start3A_558 = arith.constant 0 : i32
      %dma_start3A_559 = tpu.memref_slice %arg5[%run_scoped3A_403, %dma_start3A_558] : memref<4x400xi32, #tpu.memory_space<vmem>> -> memref<1x400xi32, #tpu.memory_space<vmem>>
      %dma_start3A_560 = tpu.memref_squeeze %dma_start3A_559 : memref<1x400xi32, #tpu.memory_space<vmem>> -> memref<400xi32, #tpu.memory_space<vmem>>
      %dma_start3A_561 = tpu.memref_slice %arg3[%add3A_402] : memref<819200xi32, #tpu.memory_space<hbm>> -> memref<400xi32, #tpu.memory_space<hbm>>
      %dma_start3A_562 = arith.constant 0 : i32
      %dma_start3A_563 = tpu.memref_slice %arg5[%run_scoped3A_403, %dma_start3A_562] : memref<4x400xi32, #tpu.memory_space<vmem>> -> memref<1x400xi32, #tpu.memory_space<vmem>>
      %dma_start3A_564 = tpu.memref_squeeze %dma_start3A_563 : memref<1x400xi32, #tpu.memory_space<vmem>> -> memref<400xi32, #tpu.memory_space<vmem>>
      %dma_start3A_565 = tpu.memref_slice %arg3[%add3A_402] : memref<819200xi32, #tpu.memory_space<hbm>> -> memref<400xi32, #tpu.memory_space<hbm>>
      tpu.enqueue_dma source(%dma_start3A_565 : memref<400xi32, #tpu.memory_space<hbm>>) target(%dma_start3A_564 : memref<400xi32, #tpu.memory_space<vmem>>) target_semaphore(%run_scoped3A_557 : memref<!tpu.dma_semaphore, #tpu.memory_space<semaphore_mem>>)
      %dma_wait3A_566 = arith.constant 0 : i32
      %dma_wait3A_567 = tpu.memref_slice %arg5[%run_scoped3A_403, %dma_wait3A_566] : memref<4x400xi32, #tpu.memory_space<vmem>> -> memref<1x400xi32, #tpu.memory_space<vmem>>
      %dma_wait3A_568 = tpu.memref_squeeze %dma_wait3A_567 : memref<1x400xi32, #tpu.memory_space<vmem>> -> memref<400xi32, #tpu.memory_space<vmem>>
      %dma_wait3A_569 = tpu.memref_slice %arg3[%add3A_402] : memref<819200xi32, #tpu.memory_space<hbm>> -> memref<400xi32, #tpu.memory_space<hbm>>
      %dma_wait3A_570 = arith.constant 0 : i32
      %dma_wait3A_571 = tpu.memref_slice %arg5[%run_scoped3A_403, %dma_wait3A_570] : memref<4x400xi32, #tpu.memory_space<vmem>> -> memref<1x400xi32, #tpu.memory_space<vmem>>
      %dma_wait3A_572 = tpu.memref_squeeze %dma_wait3A_571 : memref<1x400xi32, #tpu.memory_space<vmem>> -> memref<400xi32, #tpu.memory_space<vmem>>
      %dma_wait3A_573 = tpu.memref_slice %arg3[%add3A_402] : memref<819200xi32, #tpu.memory_space<hbm>> -> memref<400xi32, #tpu.memory_space<hbm>>
      tpu.wait_dma2 semaphore(%run_scoped3A_557 : memref<!tpu.dma_semaphore, #tpu.memory_space<semaphore_mem>>) src(%dma_wait3A_573 : memref<400xi32, #tpu.memory_space<hbm>>) dst(%dma_wait3A_572 : memref<400xi32, #tpu.memory_space<vmem>>)
      tpu.yield
    }) : () -> ()
    %dma_start3A_404 = arith.constant 3 : i32
    %dma_start3A_405 = arith.constant 3 : i32
    %dma_start3A_406 = arith.constant 3 : i32
    %dma_start3A_407 = arith.constant 0 : i32
    %dma_start3A_408 = arith.constant 0 : i32
    %dma_start3A_409 = tpu.memref_slice %arg6[%dma_start3A_405, %dma_start3A_407, %dma_start3A_408] : memref<4x400x64xf32, #tpu.memory_space<vmem>> -> memref<1x400x64xf32, #tpu.memory_space<vmem>>
    %dma_start3A_410 = tpu.memref_squeeze %dma_start3A_409 : memref<1x400x64xf32, #tpu.memory_space<vmem>> -> memref<400x64xf32, #tpu.memory_space<vmem>>
    %dma_start3A_411 = arith.constant 0 : i32
    %dma_start3A_412 = tpu.memref_slice %arg5[%dma_start3A_404, %dma_start3A_411] : memref<4x400xi32, #tpu.memory_space<vmem>> -> memref<1x400xi32, #tpu.memory_space<vmem>>
    %dma_start3A_413 = tpu.memref_squeeze %dma_start3A_412 : memref<1x400xi32, #tpu.memory_space<vmem>> -> memref<400xi32, #tpu.memory_space<vmem>>
    %dma_start3A_414 = arith.constant 0 : i32
    %dma_start3A_415 = arith.constant 0 : i32
    %dma_start3A_416 = tpu.memref_slice %arg2[%dma_start3A_414, %dma_start3A_415] : memref<1000000x64xf32, #tpu.memory_space<hbm>> -> memref<1000000x64xf32, #tpu.memory_space<hbm>>
    %dma_start3A_417 = tpu.memref_slice %arg7[%dma_start3A_406] : memref<4x!tpu.dma_semaphore, #tpu.memory_space<semaphore_mem>> -> memref<1x!tpu.dma_semaphore, #tpu.memory_space<semaphore_mem>>
    %dma_start3A_418 = tpu.memref_squeeze %dma_start3A_417 : memref<1x!tpu.dma_semaphore, #tpu.memory_space<semaphore_mem>> -> memref<!tpu.dma_semaphore, #tpu.memory_space<semaphore_mem>>
    tpu.enqueue_indirect_dma source(%dma_start3A_416 : memref<1000000x64xf32, #tpu.memory_space<hbm>>) target(%dma_start3A_410 : memref<400x64xf32, #tpu.memory_space<vmem>>) offsets(%dma_start3A_413 : memref<400xi32, #tpu.memory_space<vmem>>) semaphore(%dma_start3A_418 : memref<!tpu.dma_semaphore, #tpu.memory_space<semaphore_mem>>)
    %dma_wait3A_419 = arith.constant 2 : i32
    %dma_wait3A_420 = arith.constant 2 : i32
    %dma_wait3A_421 = arith.constant 2 : i32
    %dma_wait3A_422 = arith.constant 0 : i32
    %dma_wait3A_423 = arith.constant 0 : i32
    %dma_wait3A_424 = tpu.memref_slice %arg6[%dma_wait3A_420, %dma_wait3A_422, %dma_wait3A_423] : memref<4x400x64xf32, #tpu.memory_space<vmem>> -> memref<1x400x64xf32, #tpu.memory_space<vmem>>
    %dma_wait3A_425 = tpu.memref_squeeze %dma_wait3A_424 : memref<1x400x64xf32, #tpu.memory_space<vmem>> -> memref<400x64xf32, #tpu.memory_space<vmem>>
    %dma_wait3A_426 = arith.constant 0 : i32
    %dma_wait3A_427 = tpu.memref_slice %arg5[%dma_wait3A_419, %dma_wait3A_426] : memref<4x400xi32, #tpu.memory_space<vmem>> -> memref<1x400xi32, #tpu.memory_space<vmem>>
    %dma_wait3A_428 = tpu.memref_squeeze %dma_wait3A_427 : memref<1x400xi32, #tpu.memory_space<vmem>> -> memref<400xi32, #tpu.memory_space<vmem>>
    %dma_wait3A_429 = arith.constant 0 : i32
    %dma_wait3A_430 = arith.constant 0 : i32
    %dma_wait3A_431 = tpu.memref_slice %arg2[%dma_wait3A_429, %dma_wait3A_430] : memref<1000000x64xf32, #tpu.memory_space<hbm>> -> memref<1000000x64xf32, #tpu.memory_space<hbm>>
    %dma_wait3A_432 = tpu.memref_slice %arg7[%dma_wait3A_421] : memref<4x!tpu.dma_semaphore, #tpu.memory_space<semaphore_mem>> -> memref<1x!tpu.dma_semaphore, #tpu.memory_space<semaphore_mem>>
    %dma_wait3A_433 = tpu.memref_squeeze %dma_wait3A_432 : memref<1x!tpu.dma_semaphore, #tpu.memory_space<semaphore_mem>> -> memref<!tpu.dma_semaphore, #tpu.memory_space<semaphore_mem>>
    tpu.wait_indirect_dma semaphore(%dma_wait3A_433 : memref<!tpu.dma_semaphore, #tpu.memory_space<semaphore_mem>>) src(%dma_wait3A_431 : memref<1000000x64xf32, #tpu.memory_space<hbm>>) dst(%dma_wait3A_425 : memref<400x64xf32, #tpu.memory_space<vmem>>)
    %add3A_434 = arith.constant 24800 : i32
    %add3A_435 = arith.addi %mul3A_2, %add3A_434 : i32
    %dma_start3A_436 = arith.constant 2 : i32
    %dma_start3A_437 = arith.constant 2 : i32
    %dma_start3A_438 = arith.constant 0 : i32
    %dma_start3A_439 = arith.constant 0 : i32
    %dma_start3A_440 = tpu.memref_slice %arg6[%dma_start3A_436, %dma_start3A_438, %dma_start3A_439] : memref<4x400x64xf32, #tpu.memory_space<vmem>> -> memref<1x400x64xf32, #tpu.memory_space<vmem>>
    %dma_start3A_441 = tpu.memref_squeeze %dma_start3A_440 : memref<1x400x64xf32, #tpu.memory_space<vmem>> -> memref<400x64xf32, #tpu.memory_space<vmem>>
    %dma_start3A_442 = arith.constant 0 : i32
    %dma_start3A_443 = tpu.memref_slice %arg4[%add3A_435, %dma_start3A_442] : memref<819200x128xf32, #tpu.memory_space<hbm>> -> memref<400x64xf32, #tpu.memory_space<hbm>>
    %dma_start3A_444 = tpu.memref_slice %arg8[%dma_start3A_437] : memref<4x!tpu.dma_semaphore, #tpu.memory_space<semaphore_mem>> -> memref<1x!tpu.dma_semaphore, #tpu.memory_space<semaphore_mem>>
    %dma_start3A_445 = tpu.memref_squeeze %dma_start3A_444 : memref<1x!tpu.dma_semaphore, #tpu.memory_space<semaphore_mem>> -> memref<!tpu.dma_semaphore, #tpu.memory_space<semaphore_mem>>
    %dma_start3A_446 = arith.constant 0 : i32
    %dma_start3A_447 = tpu.memref_slice %arg4[%add3A_435, %dma_start3A_446] : memref<819200x128xf32, #tpu.memory_space<hbm>> -> memref<400x64xf32, #tpu.memory_space<hbm>>
    %dma_start3A_448 = arith.constant 0 : i32
    %dma_start3A_449 = arith.constant 0 : i32
    %dma_start3A_450 = tpu.memref_slice %arg6[%dma_start3A_436, %dma_start3A_448, %dma_start3A_449] : memref<4x400x64xf32, #tpu.memory_space<vmem>> -> memref<1x400x64xf32, #tpu.memory_space<vmem>>
    %dma_start3A_451 = tpu.memref_squeeze %dma_start3A_450 : memref<1x400x64xf32, #tpu.memory_space<vmem>> -> memref<400x64xf32, #tpu.memory_space<vmem>>
    tpu.enqueue_dma source(%dma_start3A_451 : memref<400x64xf32, #tpu.memory_space<vmem>>) target(%dma_start3A_447 : memref<400x64xf32, #tpu.memory_space<hbm>>) target_semaphore(%dma_start3A_445 : memref<!tpu.dma_semaphore, #tpu.memory_space<semaphore_mem>>)
    %dma_wait3A_452 = arith.constant 3 : i32
    %dma_wait3A_453 = arith.constant 3 : i32
    %dma_wait3A_454 = arith.constant 3 : i32
    %dma_wait3A_455 = arith.constant 0 : i32
    %dma_wait3A_456 = arith.constant 0 : i32
    %dma_wait3A_457 = tpu.memref_slice %arg6[%dma_wait3A_453, %dma_wait3A_455, %dma_wait3A_456] : memref<4x400x64xf32, #tpu.memory_space<vmem>> -> memref<1x400x64xf32, #tpu.memory_space<vmem>>
    %dma_wait3A_458 = tpu.memref_squeeze %dma_wait3A_457 : memref<1x400x64xf32, #tpu.memory_space<vmem>> -> memref<400x64xf32, #tpu.memory_space<vmem>>
    %dma_wait3A_459 = arith.constant 0 : i32
    %dma_wait3A_460 = tpu.memref_slice %arg5[%dma_wait3A_452, %dma_wait3A_459] : memref<4x400xi32, #tpu.memory_space<vmem>> -> memref<1x400xi32, #tpu.memory_space<vmem>>
    %dma_wait3A_461 = tpu.memref_squeeze %dma_wait3A_460 : memref<1x400xi32, #tpu.memory_space<vmem>> -> memref<400xi32, #tpu.memory_space<vmem>>
    %dma_wait3A_462 = arith.constant 0 : i32
    %dma_wait3A_463 = arith.constant 0 : i32
    %dma_wait3A_464 = tpu.memref_slice %arg2[%dma_wait3A_462, %dma_wait3A_463] : memref<1000000x64xf32, #tpu.memory_space<hbm>> -> memref<1000000x64xf32, #tpu.memory_space<hbm>>
    %dma_wait3A_465 = tpu.memref_slice %arg7[%dma_wait3A_454] : memref<4x!tpu.dma_semaphore, #tpu.memory_space<semaphore_mem>> -> memref<1x!tpu.dma_semaphore, #tpu.memory_space<semaphore_mem>>
    %dma_wait3A_466 = tpu.memref_squeeze %dma_wait3A_465 : memref<1x!tpu.dma_semaphore, #tpu.memory_space<semaphore_mem>> -> memref<!tpu.dma_semaphore, #tpu.memory_space<semaphore_mem>>
    tpu.wait_indirect_dma semaphore(%dma_wait3A_466 : memref<!tpu.dma_semaphore, #tpu.memory_space<semaphore_mem>>) src(%dma_wait3A_464 : memref<1000000x64xf32, #tpu.memory_space<hbm>>) dst(%dma_wait3A_458 : memref<400x64xf32, #tpu.memory_space<vmem>>)
    %add3A_467 = arith.constant 25200 : i32
    %add3A_468 = arith.addi %mul3A_2, %add3A_467 : i32
    %dma_start3A_469 = arith.constant 3 : i32
    %dma_start3A_470 = arith.constant 3 : i32
    %dma_start3A_471 = arith.constant 0 : i32
    %dma_start3A_472 = arith.constant 0 : i32
    %dma_start3A_473 = tpu.memref_slice %arg6[%dma_start3A_469, %dma_start3A_471, %dma_start3A_472] : memref<4x400x64xf32, #tpu.memory_space<vmem>> -> memref<1x400x64xf32, #tpu.memory_space<vmem>>
    %dma_start3A_474 = tpu.memref_squeeze %dma_start3A_473 : memref<1x400x64xf32, #tpu.memory_space<vmem>> -> memref<400x64xf32, #tpu.memory_space<vmem>>
    %dma_start3A_475 = arith.constant 0 : i32
    %dma_start3A_476 = tpu.memref_slice %arg4[%add3A_468, %dma_start3A_475] : memref<819200x128xf32, #tpu.memory_space<hbm>> -> memref<400x64xf32, #tpu.memory_space<hbm>>
    %dma_start3A_477 = tpu.memref_slice %arg8[%dma_start3A_470] : memref<4x!tpu.dma_semaphore, #tpu.memory_space<semaphore_mem>> -> memref<1x!tpu.dma_semaphore, #tpu.memory_space<semaphore_mem>>
    %dma_start3A_478 = tpu.memref_squeeze %dma_start3A_477 : memref<1x!tpu.dma_semaphore, #tpu.memory_space<semaphore_mem>> -> memref<!tpu.dma_semaphore, #tpu.memory_space<semaphore_mem>>
    %dma_start3A_479 = arith.constant 0 : i32
    %dma_start3A_480 = tpu.memref_slice %arg4[%add3A_468, %dma_start3A_479] : memref<819200x128xf32, #tpu.memory_space<hbm>> -> memref<400x64xf32, #tpu.memory_space<hbm>>
    %dma_start3A_481 = arith.constant 0 : i32
    %dma_start3A_482 = arith.constant 0 : i32
    %dma_start3A_483 = tpu.memref_slice %arg6[%dma_start3A_469, %dma_start3A_481, %dma_start3A_482] : memref<4x400x64xf32, #tpu.memory_space<vmem>> -> memref<1x400x64xf32, #tpu.memory_space<vmem>>
    %dma_start3A_484 = tpu.memref_squeeze %dma_start3A_483 : memref<1x400x64xf32, #tpu.memory_space<vmem>> -> memref<400x64xf32, #tpu.memory_space<vmem>>
    tpu.enqueue_dma source(%dma_start3A_484 : memref<400x64xf32, #tpu.memory_space<vmem>>) target(%dma_start3A_480 : memref<400x64xf32, #tpu.memory_space<hbm>>) target_semaphore(%dma_start3A_478 : memref<!tpu.dma_semaphore, #tpu.memory_space<semaphore_mem>>)
    %add3A_485 = arith.constant 24000 : i32
    %add3A_486 = arith.addi %mul3A_2, %add3A_485 : i32
    %dma_wait3A_487 = arith.constant 0 : i32
    %dma_wait3A_488 = arith.constant 0 : i32
    %dma_wait3A_489 = arith.constant 0 : i32
    %dma_wait3A_490 = arith.constant 0 : i32
    %dma_wait3A_491 = tpu.memref_slice %arg6[%dma_wait3A_487, %dma_wait3A_489, %dma_wait3A_490] : memref<4x400x64xf32, #tpu.memory_space<vmem>> -> memref<1x400x64xf32, #tpu.memory_space<vmem>>
    %dma_wait3A_492 = tpu.memref_squeeze %dma_wait3A_491 : memref<1x400x64xf32, #tpu.memory_space<vmem>> -> memref<400x64xf32, #tpu.memory_space<vmem>>
    %dma_wait3A_493 = arith.constant 0 : i32
    %dma_wait3A_494 = tpu.memref_slice %arg4[%add3A_486, %dma_wait3A_493] : memref<819200x128xf32, #tpu.memory_space<hbm>> -> memref<400x64xf32, #tpu.memory_space<hbm>>
    %dma_wait3A_495 = tpu.memref_slice %arg8[%dma_wait3A_488] : memref<4x!tpu.dma_semaphore, #tpu.memory_space<semaphore_mem>> -> memref<1x!tpu.dma_semaphore, #tpu.memory_space<semaphore_mem>>
    %dma_wait3A_496 = tpu.memref_squeeze %dma_wait3A_495 : memref<1x!tpu.dma_semaphore, #tpu.memory_space<semaphore_mem>> -> memref<!tpu.dma_semaphore, #tpu.memory_space<semaphore_mem>>
    %dma_wait3A_497 = arith.constant 0 : i32
    %dma_wait3A_498 = tpu.memref_slice %arg4[%add3A_486, %dma_wait3A_497] : memref<819200x128xf32, #tpu.memory_space<hbm>> -> memref<400x64xf32, #tpu.memory_space<hbm>>
    %dma_wait3A_499 = arith.constant 0 : i32
    %dma_wait3A_500 = arith.constant 0 : i32
    %dma_wait3A_501 = tpu.memref_slice %arg6[%dma_wait3A_487, %dma_wait3A_499, %dma_wait3A_500] : memref<4x400x64xf32, #tpu.memory_space<vmem>> -> memref<1x400x64xf32, #tpu.memory_space<vmem>>
    %dma_wait3A_502 = tpu.memref_squeeze %dma_wait3A_501 : memref<1x400x64xf32, #tpu.memory_space<vmem>> -> memref<400x64xf32, #tpu.memory_space<vmem>>
    tpu.wait_dma2 semaphore(%dma_wait3A_496 : memref<!tpu.dma_semaphore, #tpu.memory_space<semaphore_mem>>) src(%dma_wait3A_502 : memref<400x64xf32, #tpu.memory_space<vmem>>) dst(%dma_wait3A_498 : memref<400x64xf32, #tpu.memory_space<hbm>>)
    %add3A_503 = arith.constant 24400 : i32
    %add3A_504 = arith.addi %mul3A_2, %add3A_503 : i32
    %dma_wait3A_505 = arith.constant 1 : i32
    %dma_wait3A_506 = arith.constant 1 : i32
    %dma_wait3A_507 = arith.constant 0 : i32
    %dma_wait3A_508 = arith.constant 0 : i32
    %dma_wait3A_509 = tpu.memref_slice %arg6[%dma_wait3A_505, %dma_wait3A_507, %dma_wait3A_508] : memref<4x400x64xf32, #tpu.memory_space<vmem>> -> memref<1x400x64xf32, #tpu.memory_space<vmem>>
    %dma_wait3A_510 = tpu.memref_squeeze %dma_wait3A_509 : memref<1x400x64xf32, #tpu.memory_space<vmem>> -> memref<400x64xf32, #tpu.memory_space<vmem>>
    %dma_wait3A_511 = arith.constant 0 : i32
    %dma_wait3A_512 = tpu.memref_slice %arg4[%add3A_504, %dma_wait3A_511] : memref<819200x128xf32, #tpu.memory_space<hbm>> -> memref<400x64xf32, #tpu.memory_space<hbm>>
    %dma_wait3A_513 = tpu.memref_slice %arg8[%dma_wait3A_506] : memref<4x!tpu.dma_semaphore, #tpu.memory_space<semaphore_mem>> -> memref<1x!tpu.dma_semaphore, #tpu.memory_space<semaphore_mem>>
    %dma_wait3A_514 = tpu.memref_squeeze %dma_wait3A_513 : memref<1x!tpu.dma_semaphore, #tpu.memory_space<semaphore_mem>> -> memref<!tpu.dma_semaphore, #tpu.memory_space<semaphore_mem>>
    %dma_wait3A_515 = arith.constant 0 : i32
    %dma_wait3A_516 = tpu.memref_slice %arg4[%add3A_504, %dma_wait3A_515] : memref<819200x128xf32, #tpu.memory_space<hbm>> -> memref<400x64xf32, #tpu.memory_space<hbm>>
    %dma_wait3A_517 = arith.constant 0 : i32
    %dma_wait3A_518 = arith.constant 0 : i32
    %dma_wait3A_519 = tpu.memref_slice %arg6[%dma_wait3A_505, %dma_wait3A_517, %dma_wait3A_518] : memref<4x400x64xf32, #tpu.memory_space<vmem>> -> memref<1x400x64xf32, #tpu.memory_space<vmem>>
    %dma_wait3A_520 = tpu.memref_squeeze %dma_wait3A_519 : memref<1x400x64xf32, #tpu.memory_space<vmem>> -> memref<400x64xf32, #tpu.memory_space<vmem>>
    tpu.wait_dma2 semaphore(%dma_wait3A_514 : memref<!tpu.dma_semaphore, #tpu.memory_space<semaphore_mem>>) src(%dma_wait3A_520 : memref<400x64xf32, #tpu.memory_space<vmem>>) dst(%dma_wait3A_516 : memref<400x64xf32, #tpu.memory_space<hbm>>)
    %add3A_521 = arith.constant 24800 : i32
    %add3A_522 = arith.addi %mul3A_2, %add3A_521 : i32
    %dma_wait3A_523 = arith.constant 2 : i32
    %dma_wait3A_524 = arith.constant 2 : i32
    %dma_wait3A_525 = arith.constant 0 : i32
    %dma_wait3A_526 = arith.constant 0 : i32
    %dma_wait3A_527 = tpu.memref_slice %arg6[%dma_wait3A_523, %dma_wait3A_525, %dma_wait3A_526] : memref<4x400x64xf32, #tpu.memory_space<vmem>> -> memref<1x400x64xf32, #tpu.memory_space<vmem>>
    %dma_wait3A_528 = tpu.memref_squeeze %dma_wait3A_527 : memref<1x400x64xf32, #tpu.memory_space<vmem>> -> memref<400x64xf32, #tpu.memory_space<vmem>>
    %dma_wait3A_529 = arith.constant 0 : i32
    %dma_wait3A_530 = tpu.memref_slice %arg4[%add3A_522, %dma_wait3A_529] : memref<819200x128xf32, #tpu.memory_space<hbm>> -> memref<400x64xf32, #tpu.memory_space<hbm>>
    %dma_wait3A_531 = tpu.memref_slice %arg8[%dma_wait3A_524] : memref<4x!tpu.dma_semaphore, #tpu.memory_space<semaphore_mem>> -> memref<1x!tpu.dma_semaphore, #tpu.memory_space<semaphore_mem>>
    %dma_wait3A_532 = tpu.memref_squeeze %dma_wait3A_531 : memref<1x!tpu.dma_semaphore, #tpu.memory_space<semaphore_mem>> -> memref<!tpu.dma_semaphore, #tpu.memory_space<semaphore_mem>>
    %dma_wait3A_533 = arith.constant 0 : i32
    %dma_wait3A_534 = tpu.memref_slice %arg4[%add3A_522, %dma_wait3A_533] : memref<819200x128xf32, #tpu.memory_space<hbm>> -> memref<400x64xf32, #tpu.memory_space<hbm>>
    %dma_wait3A_535 = arith.constant 0 : i32
    %dma_wait3A_536 = arith.constant 0 : i32
    %dma_wait3A_537 = tpu.memref_slice %arg6[%dma_wait3A_523, %dma_wait3A_535, %dma_wait3A_536] : memref<4x400x64xf32, #tpu.memory_space<vmem>> -> memref<1x400x64xf32, #tpu.memory_space<vmem>>
    %dma_wait3A_538 = tpu.memref_squeeze %dma_wait3A_537 : memref<1x400x64xf32, #tpu.memory_space<vmem>> -> memref<400x64xf32, #tpu.memory_space<vmem>>
    tpu.wait_dma2 semaphore(%dma_wait3A_532 : memref<!tpu.dma_semaphore, #tpu.memory_space<semaphore_mem>>) src(%dma_wait3A_538 : memref<400x64xf32, #tpu.memory_space<vmem>>) dst(%dma_wait3A_534 : memref<400x64xf32, #tpu.memory_space<hbm>>)
    %add3A_539 = arith.constant 25200 : i32
    %add3A_540 = arith.addi %mul3A_2, %add3A_539 : i32
    %dma_wait3A_541 = arith.constant 3 : i32
    %dma_wait3A_542 = arith.constant 3 : i32
    %dma_wait3A_543 = arith.constant 0 : i32
    %dma_wait3A_544 = arith.constant 0 : i32
    %dma_wait3A_545 = tpu.memref_slice %arg6[%dma_wait3A_541, %dma_wait3A_543, %dma_wait3A_544] : memref<4x400x64xf32, #tpu.memory_space<vmem>> -> memref<1x400x64xf32, #tpu.memory_space<vmem>>
    %dma_wait3A_546 = tpu.memref_squeeze %dma_wait3A_545 : memref<1x400x64xf32, #tpu.memory_space<vmem>> -> memref<400x64xf32, #tpu.memory_space<vmem>>
    %dma_wait3A_547 = arith.constant 0 : i32
    %dma_wait3A_548 = tpu.memref_slice %arg4[%add3A_540, %dma_wait3A_547] : memref<819200x128xf32, #tpu.memory_space<hbm>> -> memref<400x64xf32, #tpu.memory_space<hbm>>
    %dma_wait3A_549 = tpu.memref_slice %arg8[%dma_wait3A_542] : memref<4x!tpu.dma_semaphore, #tpu.memory_space<semaphore_mem>> -> memref<1x!tpu.dma_semaphore, #tpu.memory_space<semaphore_mem>>
    %dma_wait3A_550 = tpu.memref_squeeze %dma_wait3A_549 : memref<1x!tpu.dma_semaphore, #tpu.memory_space<semaphore_mem>> -> memref<!tpu.dma_semaphore, #tpu.memory_space<semaphore_mem>>
    %dma_wait3A_551 = arith.constant 0 : i32
    %dma_wait3A_552 = tpu.memref_slice %arg4[%add3A_540, %dma_wait3A_551] : memref<819200x128xf32, #tpu.memory_space<hbm>> -> memref<400x64xf32, #tpu.memory_space<hbm>>
    %dma_wait3A_553 = arith.constant 0 : i32
    %dma_wait3A_554 = arith.constant 0 : i32
    %dma_wait3A_555 = tpu.memref_slice %arg6[%dma_wait3A_541, %dma_wait3A_553, %dma_wait3A_554] : memref<4x400x64xf32, #tpu.memory_space<vmem>> -> memref<1x400x64xf32, #tpu.memory_space<vmem>>
    %dma_wait3A_556 = tpu.memref_squeeze %dma_wait3A_555 : memref<1x400x64xf32, #tpu.memory_space<vmem>> -> memref<400x64xf32, #tpu.memory_space<vmem>>
    tpu.wait_dma2 semaphore(%dma_wait3A_550 : memref<!tpu.dma_semaphore, #tpu.memory_space<semaphore_mem>>) src(%dma_wait3A_556 : memref<400x64xf32, #tpu.memory_space<vmem>>) dst(%dma_wait3A_552 : memref<400x64xf32, #tpu.memory_space<hbm>>)
    return
  }
}

</mosaic_0001>

<sc_bundles>
// kernel: _sc_embedding_lookup.3.cloned.1.call-start
scs
__scs_entry_jumppad:
0x0: {  	(pc) =	sbr.rel $0x88, $3  }
0x1: {  	(tag) =	ssettag $0x0;
	lr =	simm.s32 $0x1  }
0x2: {  	[smem:$0x3F9F] =	sst lr;
	_ =	strace $0xD0000000  }
0x3: {  	_ = 	snop  }
0x4: {  	_ = 	snop  }
0x5: {  	_ = 	snop  }
0x6: {  	_ = 	snop  }
0x7: {  	_ = 	snop  }
__scs_overlays_trampoline_lowered:
0x8: {  	[smem:$0x3FAE] =	sst s0  }
0x9: {  	[smem:$0x3FAF] =	sst s1  }
0xa: {  	[smem:$0x3FB0] =	sst s2  }
0xb: {  	[smem:$0x3FB1] =	sst s3  }
0xc: {  	[smem:$0x3FB2] =	sst s4  }
0xd: {  	[smem:$0x3FB3] =	sst s5  }
0xe: {  	[smem:$0x3FB4] =	sst s6  }
0xf: {  	[smem:$0x3FB5] =	sst s7  }
0x10: {  	[smem:$0x3FB6] =	sst s8  }
0x11: {  	[smem:$0x3FB7] =	sst s9;
	s0 =	simm.s32 @!p0 $0x0  }
0x12: {  	s1 =	sld [smem:$0x3F9D];
	s0 =	simm.s32 @p0 $0x1  }
0x13: {  	[smem:$0x3FB8] =	sst s0;
	s0 =	simm.s32 @!p1 $0x0  }
0x14: {  	s2 =	sld [smem:$0x3F9C];
	s0 =	simm.s32 @p1 $0x1  }
0x15: {  	[smem:$0x3FB9] =	sst s0;
	s0 =	simm.s32 @!p2 $0x0  }
0x16: {  	s3 =	sld [smem:$0x3FDB];
	s0 =	simm.s32 @p2 $0x1  }
0x17: {  	s4 =	simm.s32 $0x1BF5;
	[smem:$0x3FBB] =	sst s0  }
0x18: {  	s0 =	sld [smem:$0x3F9E];
	_ =	swait.ge [sflag:s4], $0x0  }
0x19: {  	s7 =	sld [smem:$0x3F9F]  }
0x1a: {  	s8 =	sadd.s32 $0xFFFFE003, lr  }
0x1b: {  	s9 =	sadd.s32 $0xFFFFFEF7, lr;
	s5 =	simm.s32 $0xFFFFFFFF;
	p2 =	slt.u32 s8, $0xFFFFF086  }
0x1c: {  	p1 =	slt.u32 s9, $0xF7A;
	s5 =	simm.s32 @!p2 $0x0  }
0x1d: {  	s5 =	simm.s32 @p1 $0x1;
	p0 =	seq.s32 s7, s2  }
0x1e: {  	s7 =	smul.u32 @!p0 $0xF7A, s2;
	p2 =	seq.s32 @!p0 s5, $0x0  }
0x1f: {  	s9 =	smul.u32 $0xF7A, s1;
	s8 =	simm.s32 @!p0 $0x1BF5;
	p2 =	por !p2, p0  }
0x20: {  	[sflag:s8] =	ssyncset.s32 @!p0 $0xFFFFF086;
	s6 =	sadd.s32 @!p0 s3, s7;
	s7 =	simm.s32 @!p0 $0x108  }
0x21: {  	s3 =	sadd.s32 s3, s9;
	s6 =	sadd.s32 @!p0 $0x88, s6;
	s7 =	simm.s32 @p2 $0x1082  }
0x22: {  	[simem:s7], [sflag:s8] =	dma.local @!p0 [hbm:s6], $0xF7A  }
0x23: {  	s9 =	sor.u32 $0xD0000000, s2;
	s6 =	simm.s32 $0x108;
	_ =	swait.ge @!p0 [sflag:s8], $0x0  }
0x24: {  	s3 =	sadd.s32 $0x88, s3;
	s6 =	simm.s32 @!p1 $0x1082;
	[sflag:s4] =	ssyncset.s32 $0xFFFFF086  }
0x25: {  	[simem:s6], [sflag:s4] =	dma.local [hbm:s3], $0xF7A  }
0x26: {  	[smem:$0x3F9F] =	sst s1;
	(tag) =	ssettag s2;
	_ =	strace s9  }
0x27: {  	s1 =	sld [smem:$0x3FAF]  }
0x28: {  	s2 =	sld [smem:$0x3FB0]  }
0x29: {  	s4 =	sld [smem:$0x3FB2]  }
0x2a: {  	p0 =	seq.s32 s5, $0x0;
	s5 =	sld [smem:$0x3FB3]  }
0x2b: {  	s6 =	sld [smem:$0x3FB4]  }
0x2c: {  	s7 =	sld [smem:$0x3FB5]  }
0x2d: {  	s3 =	simm.s32 $0x108;
	s8 =	sld [smem:$0x3FB6]  }
0x2e: {  	s3 =	simm.s32 @!p0 $0x1082;
	s9 =	sld [smem:$0x3FB7]  }
0x2f: {  	lr =	sadd.s32 s0, s3;
	s0 =	sld [smem:$0x3FAE]  }
0x30: {  	s3 =	sld [smem:$0x3FB1]  }
0x31: {  	[smem:$0x3FBA] =	sst s10  }
0x32: {  	s10 =	sld [smem:$0x3FB8];
	_ =	sdelay $0x3  }
0x33: {  	p0 =	seq.s32 s10, $0x1;
	s10 =	sld [smem:$0x3FBA];
	_ =	sdelay $0x3  }
0x34: {  	[smem:$0x3FBA] =	sst s10  }
0x35: {  	s10 =	sld [smem:$0x3FB9];
	_ =	sdelay $0x3  }
0x36: {  	p1 =	seq.s32 s10, $0x1;
	s10 =	sld [smem:$0x3FBA];
	_ =	sdelay $0x3  }
0x37: {  	[smem:$0x3FBA] =	sst s10  }
0x38: {  	s10 =	sld [smem:$0x3FBB]  }
0x39: {  	_ = 	snop;
	(pc) =	sbr.ind lr, $3  }
0x3a: {  	_ = 	snop  }
0x3b: {  	_ = 	snop  }
0x3c: {  	p2 =	seq.s32 s10, $0x1;
	s10 =	sld [smem:$0x3FBA]  }
0x3d: {  	_ =	shalt  }
0x3e: {  	_ =	shalt  }
0x3f: {  	_ =	shalt  }
0x40: {  	_ =	shalt  }
0x41: {  	_ =	shalt  }
0x42: {  	_ =	shalt  }
0x43: {  	_ =	shalt  }
0x44: {  	_ =	shalt  }
0x45: {  	_ =	shalt  }
0x46: {  	_ =	shalt  }
0x47: {  	_ =	shalt  }
0x48: {  	_ =	shalt  }
0x49: {  	_ =	shalt  }
0x4a: {  	_ =	shalt  }
0x4b: {  	_ =	shalt  }
0x4c: {  	_ =	shalt  }
0x4d: {  	_ =	shalt  }
0x4e: {  	_ =	shalt  }
0x4f: {  	_ =	shalt  }
0x50: {  	_ =	shalt  }
0x51: {  	_ =	shalt  }
0x52: {  	_ =	shalt  }
0x53: {  	_ =	shalt  }
0x54: {  	_ =	shalt  }
0x55: {  	_ =	shalt  }
0x56: {  	_ =	shalt  }
0x57: {  	_ =	shalt  }
0x58: {  	_ =	shalt  }
0x59: {  	_ =	shalt  }
0x5a: {  	_ =	shalt  }
0x5b: {  	_ =	shalt  }
0x5c: {  	_ =	shalt  }
0x5d: {  	_ =	shalt  }
0x5e: {  	_ =	shalt  }
0x5f: {  	_ =	shalt  }
0x60: {  	_ =	shalt  }
0x61: {  	_ =	shalt  }
0x62: {  	_ =	shalt  }
0x63: {  	_ =	shalt  }
0x64: {  	_ =	shalt  }
0x65: {  	_ =	shalt  }
0x66: {  	_ =	shalt  }
0x67: {  	_ =	shalt  }
0x68: {  	_ =	shalt  }
0x69: {  	_ =	shalt  }
0x6a: {  	_ =	shalt  }
0x6b: {  	_ =	shalt  }
0x6c: {  	_ =	shalt  }
0x6d: {  	_ =	shalt  }
0x6e: {  	_ =	shalt  }
0x6f: {  	_ =	shalt  }
0x70: {  	_ =	shalt  }
0x71: {  	_ =	shalt  }
0x72: {  	_ =	shalt  }
0x73: {  	_ =	shalt  }
0x74: {  	_ =	shalt  }
0x75: {  	_ =	shalt  }
0x76: {  	_ =	shalt  }
0x77: {  	_ =	shalt  }
0x78: {  	_ =	shalt  }
0x79: {  	_ =	shalt  }
0x7a: {  	_ =	shalt  }
0x7b: {  	_ =	shalt  }
0x7c: {  	_ =	shalt  }
0x7d: {  	_ =	shalt  }
0x7e: {  	_ =	shalt  }
0x7f: {  	_ =	shalt  }
0x80: {  	_ =	shalt  }
0x81: {  	_ =	shalt  }
0x82: {  	_ =	shalt  }
0x83: {  	_ =	shalt  }
0x84: {  	_ =	shalt  }
0x85: {  	_ =	shalt  }
0x86: {  	_ =	shalt  }
0x87: {  	_ =	shalt  }
.Lfunc_end0:
.L_simem_size_0:
called_computation_lowered:
.L_overlay_start_0:
0x88: {  	s2 =	sld [smem:$0x3FD9]  }
0x89: {  	s3 =	sld [smem:$0x3FFE];
	_ =	sdelay $0x1  }
0x8a: {  	s1 =	srdreg.scid  }
0x8b: {  	s0 =	sand.u32 $0x1, s1  }
0x8c: {  	s17 =	sshll.u32 s0, $0xA;
	s2 =	sadd.s32 s3, s2  }
0x8d: {  	s2 =	sadd.s32 s2, s17  }
0x8e: {  	[smem:$0x3FC6] =	sst s2  }
0x8f: {  	_ = 	snop  }
0x90: {  	s2 =	sld [smem:$0x3FC9]  }
0x91: {  	s18 =	sld [smem:$0x3FD0];
	(tm) =	ssettm $0x1  }
0x92: {  	s4 =	sld [smem:$0x3FFB];
	_ =	sdelay $0x3  }
0x93: {  	_ =	strace s4  }
0x94: {  	s4 =	sld [smem:$0x3FFC];
	_ =	sdelay $0x3  }
0x95: {  	_ =	strace s4  }
0x96: {  	s4 =	sld [smem:$0x3FFD];
	_ =	sdelay $0x3  }
0x97: {  	_ =	strace s4  }
0x98: {  	_ =	strace $0x8FFFFFFF  }
0x99: {  	s19 =	sld [smem:$0x3FDB];
	_ =	sdelay $0x1  }
0x9a: {  	s5 =	simm.s32 $_scs_section_size  }
0x9b: {  	s6 =	simm.s32 $_size__tile_overlayer_lowered;
	s7 =	simm.s32 $_tile_overlayer_lowered  }
0x9c: {  	s22 =	simm.s32 $0x1BFF;
	s21 =	sshll.u32 s7, $0x1;
	s4 =	sadd.s32 s5, s19  }
0x9d: {  	s8 =	simm.s32 $0x0;
	s20 =	sshll.u32 s6, $0x1;
	s6 =	sadd.s32 s21, s4  }
0x9e: {  	[timem:s8], [sflag:s22] =	dma.local [hbm:s6], s20  }
0x9f: {  	_ =	swait.ge [sflag:s22], s20  }
0xa0: {  	s5 =	ssub.s32 $0x0, s20;
	[sflag:s22] =	ssyncset.done $0x0  }
0xa1: {  	[sflag:s22] =	ssyncadd.s32 s5;
	_ =	sdelay $0x1  }
0xa2: {  	s23 =	simm.s32 $0x1B8B  }
0xa3: {  	_ =	swait.ge [sflag:s23], $0x1  }
0xa4: {  	[sflag:s23] =	ssyncset.done $0x0  }
0xa5: {  	s25 =	simm.s32 $0x1B8E;
	s24 =	sld [smem:$0x3FFE];
	[sflag:s23] =	ssyncadd.s32 $0xFFFFFFFF  }
0xa6: {  	s26 =	simm.s32 $execute0_lowered;
	[smem:$0x3FD2] =	sst s25  }
0xa7: {  	s6 =	sshll.u32 s26, $0x1;
	_ =	strace $0x80000046;
	[dreg:$0x1] =	wrdreg $0xFFFFFFFF  }
0xa8: {  	s28 =	simm.s32 $_size_execute0_lowered;
	s4 =	sadd.s32 s4, s6;
	[dreg:$0x0] =	wrdreg $0x0  }
0xa9: {  	s6 =	sshll.u32 s28, $0x1;
	[dreg:$0x2] =	wrdreg s4  }
0xaa: {  	[dreg:$0x3] =	wrdreg s6  }
0xab: {  	[dreg:$0x4] =	wrdreg $0xC0  }
0xac: {  	_ =	task [dreg:s8], $0x5FFFF  }
0xad: {  	[dreg:$0x1] =	wrdreg $0xFFFFFFFF  }
0xae: {  	[dreg:$0x0] =	wrdreg $0x60  }
0xaf: {  	[dreg:$0x2] =	wrdreg s24  }
0xb0: {  	[dreg:$0x3] =	wrdreg s2  }
0xb1: {  	[dreg:$0x4] =	wrdreg s18  }
0xb2: {  	[dreg:$0x5] =	wrdreg $0x9  }
0xb3: {  	_ =	task.clear_ibuf [dreg:s8], $0x6FFFF;
	_ =	strace $0x90000046  }
0xb4: {  	s29 =	simm.s32 $0x9;
	_ =	strace $0x80000048  }
0xb5: {  	_ =	swait.ge [sflag:s29], $0x1  }
0xb6: {  	[sflag:s29] =	ssyncadd.s32 $0xFFFFFFFF  }
0xb7: {  	_ =	strace $0x90000048  }
0xb8: {  	_ =	sfence  }
0xb9: {  	s30 =	sld [smem:$0x0];
	_ =	sdelay $0x2  }
0xba: {  	s31 =	sshll.u32 s1, $0xD;
	s1 =	sshrl.u32 s1, $0x2  }
0xbb: {  	s3 =	sand.u32 $0x4000, s31;
	s1 =	sadd.s32 s1, s30  }
0xbc: {  	s0 =	sor.u32 s3, s0;
	s1 =	sshll.u32 s1, $0x11  }
0xbd: {  	s0 =	sor.u32 s1, s0  }
0xbe: {  	s0 =	sadd.s32 $0x8F2B, s0  }
0xbf: {  	[sflag:s0] =	ssyncadd.remote.s32 $0x1  }
0xc0: {  	_ =	sfence.sel $0xFFFF  }
0xc1: {  	[dreg:$0x0] =	wrdreg $0xFFFFFFFF;
	(pc) =	sbr.abs _section_cstart, $3  }
0xc2: {  	[dreg:$0x1] =	wrdreg $0xFFFFFFFF  }
0xc3: {  	_ =	task.clear_ibuf [dreg:s8], $0x2FFFF;
	_ =	strace $0x9FFFFFFF  }
0xc4: {  	(tm) =	ssettm $0x7FFFFFFF  }
0xc5: {  	_ =	shalt  }
tec
execute0_lowered:
.L_overlay_start_1:
0x0: {  	(tag) =	ssettag $0x1  }
0x1: {  	s3 =	rddreg [dreg:$0x0]  }
0x2: {  	s0 =	rddreg [dreg:$0x1];
	s2 =	srdreg.scid  }
0x3: {  	s12 =	stileid.u32;
	s1 =	rddreg [dreg:$0x2];
	s28 =	simm.s32 $0x640  }
0x4: {  	s29 =	simm.s32 $0x6A40;
	s30 =	simm.s32 $0x1;
	s31 =	simm.s32 $0x40  }
0x5: {  	s4 =	sand.u32 $0x1, s2;
	s5 =	sshll.u32 s12, $0x1;
	s25 =	smul.u32 $0xC800, s12  }
0x6: {  	s5 =	sor.u32 s4, s5;
	s6 =	ssub.s32 $0x2, s4;
	s4 =	smul.u32 $0x6400, s4  }
0x7: {  	s2 =	simm.s32 $0x0;
	s3 =	sadd.s32 $0xF42800, s3;
	s7 =	smul.u32 $0x6400, s5  }
0x8: {  	[smem:$0x7FF] =	sst s2;
	s8 =	sshrl.u32 s6, $0x1;
	s11 =	smul.u32 $0x64000, s5  }
0x9: {  	_ =	strace $0x80000047;
	s5 =	smul.u32 $0x320000, s5;
	s6 =	ssub.s32 s6, s8  }
0xa: {  	s4 =	sadd.s32 s4, s25;
	s9 =	sshrl.u32 s7, $0x3;
	s10 =	sor.u32 $0x190, s7  }
0xb: {  	s18 =	sadd.s32 s1, s11;
	s19 =	sor.u32 $0x320, s7;
	s21 =	sadd.s32 $0x4B0, s7  }
0xc: {  	s5 =	sshrl.u32 s5, $0x3;
	s12 =	sadd.s32 $0x60E0, s7;
	s7 =	sadd.s32 $0x6270, s7  }
0xd: {  	s15 =	sadd.s32 $0xC80, s4;
	s13 =	sadd.s32 s0, s9;
	s17 =	sshrl.u32 s10, $0x3  }
0xe: {  	[dreg:$0xa] =	wrdreg s18;
	s20 =	sshrl.u32 s19, $0x3;
	s10 =	sshll.u32 s10, $0x4  }
0xf: {  	s23 =	sshrl.u32 s21, $0x3;
	s24 =	sshll.u32 s21, $0x4;
	s5 =	sadd.s32 s1, s5  }
0x10: {  	s16 =	sshll.u32 s7, $0x4;
	s8 =	sadd.s32 s0, s17;
	[dreg:$0x8] =	wrdreg s13  }
0x11: {  	s18 =	sadd.s32 $0xAF0, s4;
	s9 =	sadd.s32 s0, s20;
	[dreg:$0x9] =	wrdreg s8  }
0x12: {  	s22 =	sadd.s32 s1, s10;
	s26 =	sadd.s32 $0xC8, s13;
	[dreg:$0xb] =	wrdreg s9  }
0x13: {  	s11 =	sadd.s32 $0xFA, s13;
	s13 =	sshrl.u32 s12, $0x3;
	[dreg:$0xc] =	wrdreg s22  }
0x14: {  	s20 =	sadd.s32 $0x960, s4;
	s10 =	simm.s32 $0x5;
	[dreg:$0xf] =	wrdreg s26  }
0x15: {  	s9 =	sadd.s32 s0, s23;
	s8 =	sshll.u32 s19, $0x4;
	[dreg:$0x11] =	wrdreg s11  }
0x16: {  	s11 =	sadd.s32 s1, s16;
	s19 =	sshrl.u32 s18, $0x3;
	s21 =	sshll.u32 s20, $0x4  }
0x17: {  	s22 =	sadd.s32 $0x5DC00, s5;
	s23 =	sadd.s32 s0, s13;
	[dreg:$0xd] =	wrdreg s9  }
0x18: {  	s5 =	sadd.s32 $0x5F500, s5;
	s25 =	sshrl.u32 s20, $0x3;
	[dreg:$0x13] =	wrdreg s11  }
0x19: {  	s26 =	smax.u32 s6, $0x1;
	s6 =	simm.s32 $0x2;
	[dreg:$0x15] =	wrdreg s22  }
0x1a: {  	s13 =	simm.s32 $0x7;
	s8 =	sadd.s32 s1, s8;
	[dreg:$0x16] =	wrdreg s23  }
0x1b: {  	s9 =	sadd.s32 $0xE10, s4;
	s4 =	sshll.u32 s4, $0x4;
	[dreg:$0x17] =	wrdreg s5  }
0x1c: {  	[dreg:$0x19] =	wrdreg s26;
	s26 =	simm.s32 $0x190;
	s5 =	simm.s32 $0xCE40  }
0x1d: {  	s11 =	simm.s32 $0x4;
	[dreg:$0xe] =	wrdreg s8;
	s8 =	sadd.s32 s1, s24  }
0x1e: {  	s14 =	sshrl.u32 s9, $0x3;
	s9 =	sshrl.u32 s15, $0x3;
	s4 =	sadd.s32 s1, s4  }
0x1f: {  	s24 =	sshrl.u32 s7, $0x3;
	s7 =	simm.s32 $0x4B0;
	[dreg:$0x10] =	wrdreg s8  }
0x20: {  	s8 =	sshll.u32 s12, $0x4;
	s17 =	sadd.s32 s9, s0;
	s9 =	sshll.u32 s18, $0x4  }
0x21: {  	s23 =	sadd.s32 $0x7D00, s4;
	s12 =	simm.s32 $0x6;
	s8 =	sadd.s32 s1, s8  }
0x22: {  	[dreg:$0x5] =	wrdreg s17;
	s9 =	sadd.s32 s9, s1;
	s17 =	sadd.s32 s21, s1  }
0x23: {  	s1 =	sadd.s32 s0, s24;
	s24 =	sadd.s32 $0x6400, s4;
	[dreg:$0x12] =	wrdreg s8  }
0x24: {  	s4 =	simm.s32 $0x8;
	s8 =	sadd.s32 s14, s0;
	[dreg:$0x14] =	wrdreg s9  }
0x25: {  	[dreg:$0x18] =	wrdreg s1;
	s1 =	simm.s32 $0x80;
	s9 =	simm.s32 $0x3  }
0x26: {  	s14 =	simm.s32 $0x0;
	[dreg:$0x4] =	wrdreg s8;
	s8 =	sadd.s32 s19, s0  }
0x27: {  	s0 =	sadd.s32 s25, s0;
	s25 =	simm.s32 $0x9;
	[dreg:$0x6] =	wrdreg s8  }
0x28: {  	[dreg:$0x7] =	wrdreg s0;
	s0 =	simm.s32 $0x320;
	s8 =	simm.s32 $0x13240  }
.LBB2_1:
0x29: {  	s15 =	rddreg [dreg:$0x8]  }
0x2a: {  	[tilespmem:s2], [sflag:$0x9] =	stream.linear.gather [hbm4b:s15+s2], $0x190, $0x38;
	[tilespmem:$0x19640] =	vst v63  }
0x2b: {  	_ =	swait.ge [sflag:s25], $0x190  }
0x2c: {  	[sflag:s25] =	ssyncset.done $0x0  }
0x2d: {  	[sflag:s25] =	ssyncadd.s32 $0xFFFFFE70  }
0x2e: {  	[tilespmem:s28], [sflag:$0x1] =	stream.indirect.gather [hbm4b:s3+s26], $0x40, s2, s26, $0xb8;
	[tilespmem:$0x19640] =	vst v63  }
0x2f: {  	s22 =	rddreg [dreg:$0x9]  }
0x30: {  	[tilespmem:s26], [sflag:$0x9] =	stream.linear.gather [hbm4b:s22+s2], $0x190, $0x38;
	[tilespmem:$0x19640] =	vst v63  }
0x31: {  	_ =	swait.ge [sflag:s25], $0x190  }
0x32: {  	[sflag:s25] =	ssyncset.done $0x0  }
0x33: {  	[sflag:s25] =	ssyncadd.s32 $0xFFFFFE70  }
0x34: {  	[tilespmem:s29], [sflag:$0x2] =	stream.indirect.gather [hbm4b:s3+s26], $0x40, s26, s26, $0xb8;
	[tilespmem:$0x19640] =	vst v63  }
0x35: {  	_ =	swait.ge [sflag:s30], $0x6400  }
0x36: {  	[sflag:s30] =	ssyncset.done $0x0  }
0x37: {  	s16 =	rddreg [dreg:$0xa];
	[sflag:s30] =	ssyncadd.s32 $0xFFFF9C00  }
0x38: {  	[hbm4b:s16+s31] =	stream.strided.scatter [tilespmem:s28], [sflag:$0x5], $0x6400, s1, s31, $0x38;
	[tilespmem:$0x19640] =	vst v63  }
0x39: {  	s18 =	rddreg [dreg:$0xb]  }
0x3a: {  	[tilespmem:s0], [sflag:$0x9] =	stream.linear.gather [hbm4b:s18+s2], $0x190, $0x38;
	[tilespmem:$0x19640] =	vst v63  }
0x3b: {  	_ =	swait.ge [sflag:s25], $0x190  }
0x3c: {  	[sflag:s25] =	ssyncset.done $0x0  }
0x3d: {  	[sflag:s25] =	ssyncadd.s32 $0xFFFFFE70  }
0x3e: {  	[tilespmem:s5], [sflag:$0x3] =	stream.indirect.gather [hbm4b:s3+s26], $0x40, s0, s26, $0xb8;
	[tilespmem:$0x19640] =	vst v63  }
0x3f: {  	_ =	swait.ge [sflag:s6], $0x6400  }
0x40: {  	[sflag:s6] =	ssyncset.done $0x0  }
0x41: {  	s19 =	rddreg [dreg:$0xc];
	[sflag:s6] =	ssyncadd.s32 $0xFFFF9C00  }
0x42: {  	[hbm4b:s19+s31] =	stream.strided.scatter [tilespmem:s29], [sflag:$0x6], $0x6400, s1, s31, $0x38;
	[tilespmem:$0x19640] =	vst v63  }
0x43: {  	s20 =	rddreg [dreg:$0xd]  }
0x44: {  	[tilespmem:s7], [sflag:$0x9] =	stream.linear.gather [hbm4b:s20+s2], $0x190, $0x38;
	[tilespmem:$0x19640] =	vst v63  }
0x45: {  	_ =	swait.ge [sflag:s25], $0x190  }
0x46: {  	[sflag:s25] =	ssyncset.done $0x0  }
0x47: {  	[sflag:s25] =	ssyncadd.s32 $0xFFFFFE70  }
0x48: {  	[tilespmem:s8], [sflag:$0x4] =	stream.indirect.gather [hbm4b:s3+s26], $0x40, s7, s26, $0xb8;
	[tilespmem:$0x19640] =	vst v63  }
0x49: {  	_ =	swait.ge [sflag:s9], $0x6400  }
0x4a: {  	[sflag:s9] =	ssyncset.done $0x0  }
0x4b: {  	s21 =	rddreg [dreg:$0xe];
	[sflag:s9] =	ssyncadd.s32 $0xFFFF9C00  }
0x4c: {  	[hbm4b:s21+s31] =	stream.strided.scatter [tilespmem:s5], [sflag:$0x7], $0x6400, s1, s31, $0x38;
	[tilespmem:$0x19640] =	vst v63  }
0x4d: {  	_ =	swait.ge [sflag:s10], $0x6400  }
0x4e: {  	[sflag:s10] =	ssyncset.done $0x0  }
0x4f: {  	s22 =	rddreg [dreg:$0xf];
	[sflag:s10] =	ssyncadd.s32 $0xFFFF9C00  }
0x50: {  	[tilespmem:s2], [sflag:$0x9] =	stream.linear.gather [hbm4b:s22+s2], $0x190, $0x38;
	[tilespmem:$0x19640] =	vst v63  }
0x51: {  	_ =	swait.ge [sflag:s25], $0x190  }
0x52: {  	[sflag:s25] =	ssyncset.done $0x0  }
0x53: {  	[sflag:s25] =	ssyncadd.s32 $0xFFFFFE70  }
0x54: {  	[tilespmem:s28], [sflag:$0x1] =	stream.indirect.gather [hbm4b:s3+s26], $0x40, s2, s26, $0xb8;
	[tilespmem:$0x19640] =	vst v63  }
0x55: {  	_ =	swait.ge [sflag:s11], $0x6400  }
0x56: {  	[sflag:s11] =	ssyncset.done $0x0  }
0x57: {  	s16 =	rddreg [dreg:$0x10];
	[sflag:s11] =	ssyncadd.s32 $0xFFFF9C00  }
0x58: {  	[hbm4b:s16+s31] =	stream.strided.scatter [tilespmem:s8], [sflag:$0x8], $0x6400, s1, s31, $0x38;
	[tilespmem:$0x19640] =	vst v63  }
0x59: {  	_ =	swait.ge [sflag:s12], $0x6400  }
0x5a: {  	[sflag:s12] =	ssyncset.done $0x0  }
0x5b: {  	s18 =	rddreg [dreg:$0x11];
	[sflag:s12] =	ssyncadd.s32 $0xFFFF9C00  }
0x5c: {  	[tilespmem:s26], [sflag:$0x9] =	stream.linear.gather [hbm4b:s18+s2], $0x190, $0x38;
	[tilespmem:$0x19640] =	vst v63  }
0x5d: {  	_ =	swait.ge [sflag:s25], $0x190  }
0x5e: {  	[sflag:s25] =	ssyncset.done $0x0  }
0x5f: {  	[sflag:s25] =	ssyncadd.s32 $0xFFFFFE70  }
0x60: {  	[tilespmem:s29], [sflag:$0x2] =	stream.indirect.gather [hbm4b:s3+s26], $0x40, s26, s26, $0xb8;
	[tilespmem:$0x19640] =	vst v63  }
0x61: {  	_ =	swait.ge [sflag:s30], $0x6400  }
0x62: {  	[sflag:s30] =	ssyncset.done $0x0  }
0x63: {  	[sflag:s30] =	ssyncadd.s32 $0xFFFF9C00  }
0x64: {  	[hbm4b:s24+s31] =	stream.strided.scatter [tilespmem:s28], [sflag:$0x5], $0x6400, s1, s31, $0x38;
	[tilespmem:$0x19640] =	vst v63  }
0x65: {  	_ =	swait.ge [sflag:s13], $0x6400  }
0x66: {  	s19 =	rddreg [dreg:$0x7];
	[sflag:s13] =	ssyncset.done $0x0  }
0x67: {  	[sflag:s13] =	ssyncadd.s32 $0xFFFF9C00;
	s15 =	sadd.s32 $0x0, s19  }
0x68: {  	[tilespmem:s0], [sflag:$0x9] =	stream.linear.gather [hbm4b:s15+s2], $0x190, $0x38;
	[tilespmem:$0x19640] =	vst v63  }
0x69: {  	_ =	swait.ge [sflag:s25], $0x190  }
0x6a: {  	[sflag:s25] =	ssyncset.done $0x0  }
0x6b: {  	[sflag:s25] =	ssyncadd.s32 $0xFFFFFE70  }
0x6c: {  	[tilespmem:s5], [sflag:$0x3] =	stream.indirect.gather [hbm4b:s3+s26], $0x40, s0, s26, $0xb8;
	[tilespmem:$0x19640] =	vst v63  }
0x6d: {  	_ =	swait.ge [sflag:s6], $0x6400  }
0x6e: {  	[sflag:s6] =	ssyncset.done $0x0  }
0x6f: {  	[sflag:s6] =	ssyncadd.s32 $0xFFFF9C00  }
0x70: {  	[hbm4b:s23+s31] =	stream.strided.scatter [tilespmem:s29], [sflag:$0x6], $0x6400, s1, s31, $0x38;
	[tilespmem:$0x19640] =	vst v63  }
0x71: {  	_ =	swait.ge [sflag:s4], $0x6400  }
0x72: {  	s20 =	rddreg [dreg:$0x6];
	[sflag:s4] =	ssyncset.done $0x0  }
0x73: {  	[sflag:s4] =	ssyncadd.s32 $0xFFFF9C00;
	s15 =	sadd.s32 $0x0, s20  }
0x74: {  	[tilespmem:s7], [sflag:$0x9] =	stream.linear.gather [hbm4b:s15+s2], $0x190, $0x38;
	[tilespmem:$0x19640] =	vst v63  }
0x75: {  	_ =	swait.ge [sflag:s25], $0x190  }
0x76: {  	[sflag:s25] =	ssyncset.done $0x0  }
0x77: {  	[sflag:s25] =	ssyncadd.s32 $0xFFFFFE70  }
0x78: {  	[tilespmem:s8], [sflag:$0x4] =	stream.indirect.gather [hbm4b:s3+s26], $0x40, s7, s26, $0xb8;
	[tilespmem:$0x19640] =	vst v63  }
0x79: {  	_ =	swait.ge [sflag:s9], $0x6400  }
0x7a: {  	[sflag:s9] =	ssyncset.done $0x0  }
0x7b: {  	[sflag:s9] =	ssyncadd.s32 $0xFFFF9C00  }
0x7c: {  	[hbm4b:s17+s31] =	stream.strided.scatter [tilespmem:s5], [sflag:$0x7], $0x6400, s1, s31, $0x38;
	[tilespmem:$0x19640] =	vst v63  }
0x7d: {  	_ =	swait.ge [sflag:s10], $0x6400  }
0x7e: {  	s21 =	rddreg [dreg:$0x5];
	[sflag:s10] =	ssyncset.done $0x0  }
0x7f: {  	[sflag:s10] =	ssyncadd.s32 $0xFFFF9C00;
	s15 =	sadd.s32 $0x0, s21  }
0x80: {  	[tilespmem:s2], [sflag:$0x9] =	stream.linear.gather [hbm4b:s15+s2], $0x190, $0x38;
	[tilespmem:$0x19640] =	vst v63  }
0x81: {  	_ =	swait.ge [sflag:s25], $0x190  }
0x82: {  	[sflag:s25] =	ssyncset.done $0x0  }
0x83: {  	[sflag:s25] =	ssyncadd.s32 $0xFFFFFE70  }
0x84: {  	[tilespmem:s28], [sflag:$0x1] =	stream.indirect.gather [hbm4b:s3+s26], $0x40, s2, s26, $0xb8;
	[tilespmem:$0x19640] =	vst v63  }
0x85: {  	_ =	swait.ge [sflag:s11], $0x6400  }
0x86: {  	[sflag:s11] =	ssyncset.done $0x0  }
0x87: {  	s16 =	rddreg [dreg:$0x14];
	[sflag:s11] =	ssyncadd.s32 $0xFFFF9C00  }
0x88: {  	[hbm4b:s16+s31] =	stream.strided.scatter [tilespmem:s8], [sflag:$0x8], $0x6400, s1, s31, $0x38;
	[tilespmem:$0x19640] =	vst v63  }
0x89: {  	_ =	swait.ge [sflag:s12], $0x6400  }
0x8a: {  	s22 =	rddreg [dreg:$0x4];
	[sflag:s12] =	ssyncset.done $0x0  }
0x8b: {  	[sflag:s12] =	ssyncadd.s32 $0xFFFF9C00;
	s15 =	sadd.s32 $0x0, s22  }
0x8c: {  	[tilespmem:s26], [sflag:$0x9] =	stream.linear.gather [hbm4b:s15+s2], $0x190, $0x38;
	[tilespmem:$0x19640] =	vst v63  }
0x8d: {  	s18 =	sadd.s32 $0x6400, s17;
	_ =	swait.ge [sflag:s25], $0x190  }
0x8e: {  	s19 =	sadd.s32 $0x6400, s24;
	s21 =	sadd.s32 $0x6400, s23;
	[sflag:s25] =	ssyncset.done $0x0  }
0x8f: {  	s20 =	sadd.s32 $0x6400, s16;
	s15 =	simm.s32 $0xC8;
	[sflag:s25] =	ssyncadd.s32 $0xFFFFFE70  }
.LBB2_2:
0x90: {  	[tilespmem:s29], [sflag:$0x2] =	stream.indirect.gather [hbm4b:s3+s26], $0x40, s26, s26, $0xb8;
	[tilespmem:$0x19640] =	vst v63  }
0x91: {  	_ =	swait.ge [sflag:s30], $0x6400  }
0x92: {  	[sflag:s30] =	ssyncset.done $0x0  }
0x93: {  	[sflag:s30] =	ssyncadd.s32 $0xFFFF9C00  }
0x94: {  	[hbm4b:s19+s31] =	stream.strided.scatter [tilespmem:s28], [sflag:$0x5], $0x6400, s1, s31, $0x38;
	[tilespmem:$0x19640] =	vst v63  }
0x95: {  	_ =	swait.ge [sflag:s13], $0x6400  }
0x96: {  	s22 =	smov.u32 s15;
	s16 =	rddreg [dreg:$0x7];
	[sflag:s13] =	ssyncset.done $0x0  }
0x97: {  	[sflag:s13] =	ssyncadd.s32 $0xFFFF9C00;
	s16 =	sadd.s32 s22, s16  }
0x98: {  	[tilespmem:s0], [sflag:$0x9] =	stream.linear.gather [hbm4b:s16+s2], $0x190, $0x38;
	[tilespmem:$0x19640] =	vst v63  }
0x99: {  	_ =	swait.ge [sflag:s25], $0x190  }
0x9a: {  	[sflag:s25] =	ssyncset.done $0x0  }
0x9b: {  	[sflag:s25] =	ssyncadd.s32 $0xFFFFFE70  }
0x9c: {  	[tilespmem:s5], [sflag:$0x3] =	stream.indirect.gather [hbm4b:s3+s26], $0x40, s0, s26, $0xb8;
	[tilespmem:$0x19640] =	vst v63  }
0x9d: {  	_ =	swait.ge [sflag:s6], $0x6400  }
0x9e: {  	[sflag:s6] =	ssyncset.done $0x0  }
0x9f: {  	[sflag:s6] =	ssyncadd.s32 $0xFFFF9C00  }
0xa0: {  	[hbm4b:s21+s31] =	stream.strided.scatter [tilespmem:s29], [sflag:$0x6], $0x6400, s1, s31, $0x38;
	[tilespmem:$0x19640] =	vst v63  }
0xa1: {  	_ =	swait.ge [sflag:s4], $0x6400  }
0xa2: {  	s16 =	rddreg [dreg:$0x6];
	[sflag:s4] =	ssyncset.done $0x0  }
0xa3: {  	[sflag:s4] =	ssyncadd.s32 $0xFFFF9C00;
	s16 =	sadd.s32 s22, s16  }
0xa4: {  	[tilespmem:s7], [sflag:$0x9] =	stream.linear.gather [hbm4b:s16+s2], $0x190, $0x38;
	[tilespmem:$0x19640] =	vst v63  }
0xa5: {  	_ =	swait.ge [sflag:s25], $0x190  }
0xa6: {  	[sflag:s25] =	ssyncset.done $0x0  }
0xa7: {  	[sflag:s25] =	ssyncadd.s32 $0xFFFFFE70  }
0xa8: {  	[tilespmem:s8], [sflag:$0x4] =	stream.indirect.gather [hbm4b:s3+s26], $0x40, s7, s26, $0xb8;
	[tilespmem:$0x19640] =	vst v63  }
0xa9: {  	_ =	swait.ge [sflag:s9], $0x6400  }
0xaa: {  	[sflag:s9] =	ssyncset.done $0x0  }
0xab: {  	[sflag:s9] =	ssyncadd.s32 $0xFFFF9C00  }
0xac: {  	[hbm4b:s18+s31] =	stream.strided.scatter [tilespmem:s5], [sflag:$0x7], $0x6400, s1, s31, $0x38;
	[tilespmem:$0x19640] =	vst v63  }
0xad: {  	_ =	swait.ge [sflag:s10], $0x6400  }
0xae: {  	s16 =	rddreg [dreg:$0x5];
	[sflag:s10] =	ssyncset.done $0x0  }
0xaf: {  	[sflag:s10] =	ssyncadd.s32 $0xFFFF9C00;
	s16 =	sadd.s32 s22, s16  }
0xb0: {  	[tilespmem:s2], [sflag:$0x9] =	stream.linear.gather [hbm4b:s16+s2], $0x190, $0x38;
	[tilespmem:$0x19640] =	vst v63  }
0xb1: {  	_ =	swait.ge [sflag:s25], $0x190  }
0xb2: {  	[sflag:s25] =	ssyncset.done $0x0  }
0xb3: {  	[sflag:s25] =	ssyncadd.s32 $0xFFFFFE70  }
0xb4: {  	[tilespmem:s28], [sflag:$0x1] =	stream.indirect.gather [hbm4b:s3+s26], $0x40, s2, s26, $0xb8;
	[tilespmem:$0x19640] =	vst v63  }
0xb5: {  	_ =	swait.ge [sflag:s11], $0x6400  }
0xb6: {  	[sflag:s11] =	ssyncset.done $0x0  }
0xb7: {  	[sflag:s11] =	ssyncadd.s32 $0xFFFF9C00  }
0xb8: {  	[hbm4b:s20+s31] =	stream.strided.scatter [tilespmem:s8], [sflag:$0x8], $0x6400, s1, s31, $0x38;
	[tilespmem:$0x19640] =	vst v63  }
0xb9: {  	_ =	swait.ge [sflag:s12], $0x6400  }
0xba: {  	p0 =	sne.s32 s15, $0xA28;
	s16 =	rddreg [dreg:$0x4];
	[sflag:s12] =	ssyncset.done $0x0  }
.Ltmp0:
0xbb: {  	[sflag:s12] =	ssyncadd.s32 $0xFFFF9C00;
	s16 =	sadd.s32 s22, s16;
	(pc) =	sbr.rel @p0 .LBB2_2-.Ltmp0, $4  }
0xbc: {  	[tilespmem:s26], [sflag:$0x9] =	stream.linear.gather [hbm4b:s16+s2], $0x190, $0x38;
	[tilespmem:$0x19640] =	vst v63  }
0xbd: {  	s15 =	sadd.s32 $0xC8, s15;
	_ =	swait.ge [sflag:s25], $0x190  }
0xbe: {  	s19 =	sadd.s32 $0x6400, s19;
	s21 =	sadd.s32 $0x6400, s21;
	[sflag:s25] =	ssyncset.done $0x0  }
0xbf: {  	s18 =	sadd.s32 $0x6400, s18;
	s20 =	sadd.s32 $0x6400, s20;
	[sflag:s25] =	ssyncadd.s32 $0xFFFFFE70  }
0xc0: {  	[tilespmem:s29], [sflag:$0x2] =	stream.indirect.gather [hbm4b:s3+s26], $0x40, s26, s26, $0xb8;
	[tilespmem:$0x19640] =	vst v63  }
0xc1: {  	_ =	swait.ge [sflag:s30], $0x6400  }
0xc2: {  	[sflag:s30] =	ssyncset.done $0x0  }
0xc3: {  	s15 =	rddreg [dreg:$0x15];
	[sflag:s30] =	ssyncadd.s32 $0xFFFF9C00  }
0xc4: {  	[hbm4b:s15+s31] =	stream.strided.scatter [tilespmem:s28], [sflag:$0x5], $0x6400, s1, s31, $0x38;
	[tilespmem:$0x19640] =	vst v63  }
0xc5: {  	_ =	swait.ge [sflag:s13], $0x6400  }
0xc6: {  	[sflag:s13] =	ssyncset.done $0x0  }
0xc7: {  	s16 =	rddreg [dreg:$0x16];
	[sflag:s13] =	ssyncadd.s32 $0xFFFF9C00  }
0xc8: {  	[tilespmem:s0], [sflag:$0x9] =	stream.linear.gather [hbm4b:s16+s2], $0x190, $0x38;
	[tilespmem:$0x19640] =	vst v63  }
0xc9: {  	_ =	swait.ge [sflag:s25], $0x190  }
0xca: {  	[sflag:s25] =	ssyncset.done $0x0  }
0xcb: {  	[sflag:s25] =	ssyncadd.s32 $0xFFFFFE70  }
0xcc: {  	[tilespmem:s5], [sflag:$0x3] =	stream.indirect.gather [hbm4b:s3+s26], $0x40, s0, s26, $0xb8;
	[tilespmem:$0x19640] =	vst v63  }
0xcd: {  	_ =	swait.ge [sflag:s6], $0x6400  }
0xce: {  	[sflag:s6] =	ssyncset.done $0x0  }
0xcf: {  	s18 =	rddreg [dreg:$0x17];
	[sflag:s6] =	ssyncadd.s32 $0xFFFF9C00  }
0xd0: {  	[hbm4b:s18+s31] =	stream.strided.scatter [tilespmem:s29], [sflag:$0x6], $0x6400, s1, s31, $0x38;
	[tilespmem:$0x19640] =	vst v63  }
0xd1: {  	_ =	swait.ge [sflag:s4], $0x6400  }
0xd2: {  	[sflag:s4] =	ssyncset.done $0x0  }
0xd3: {  	s19 =	rddreg [dreg:$0x18];
	[sflag:s4] =	ssyncadd.s32 $0xFFFF9C00  }
0xd4: {  	[tilespmem:s7], [sflag:$0x9] =	stream.linear.gather [hbm4b:s19+s2], $0x190, $0x38;
	[tilespmem:$0x19640] =	vst v63  }
0xd5: {  	_ =	swait.ge [sflag:s25], $0x190  }
0xd6: {  	[sflag:s25] =	ssyncset.done $0x0  }
0xd7: {  	[sflag:s25] =	ssyncadd.s32 $0xFFFFFE70  }
0xd8: {  	[tilespmem:s8], [sflag:$0x4] =	stream.indirect.gather [hbm4b:s3+s26], $0x40, s7, s26, $0xb8;
	[tilespmem:$0x19640] =	vst v63  }
0xd9: {  	_ =	swait.ge [sflag:s9], $0x6400  }
0xda: {  	[sflag:s9] =	ssyncset.done $0x0  }
0xdb: {  	s20 =	rddreg [dreg:$0x12];
	[sflag:s9] =	ssyncadd.s32 $0xFFFF9C00  }
0xdc: {  	[hbm4b:s20+s31] =	stream.strided.scatter [tilespmem:s5], [sflag:$0x7], $0x6400, s1, s31, $0x38;
	[tilespmem:$0x19640] =	vst v63  }
0xdd: {  	_ =	swait.ge [sflag:s11], $0x6400  }
0xde: {  	[sflag:s11] =	ssyncset.done $0x0  }
0xdf: {  	s21 =	rddreg [dreg:$0x13];
	[sflag:s11] =	ssyncadd.s32 $0xFFFF9C00  }
0xe0: {  	[hbm4b:s21+s31] =	stream.strided.scatter [tilespmem:s8], [sflag:$0x8], $0x6400, s1, s31, $0x38;
	[tilespmem:$0x19640] =	vst v63  }
0xe1: {  	_ =	swait.ge [sflag:s10], $0x6400  }
0xe2: {  	[sflag:s10] =	ssyncset.done $0x0  }
0xe3: {  	[sflag:s10] =	ssyncadd.s32 $0xFFFF9C00  }
0xe4: {  	_ =	swait.ge [sflag:s12], $0x6400  }
0xe5: {  	[sflag:s12] =	ssyncset.done $0x0  }
0xe6: {  	[sflag:s12] =	ssyncadd.s32 $0xFFFF9C00  }
0xe7: {  	_ =	swait.ge [sflag:s13], $0x6400  }
0xe8: {  	[sflag:s13] =	ssyncset.done $0x0  }
0xe9: {  	[sflag:s13] =	ssyncadd.s32 $0xFFFF9C00  }
0xea: {  	_ =	swait.ge [sflag:s4], $0x6400  }
0xeb: {  	s14 =	sadd.s32 $0x1, s14;
	s22 =	rddreg [dreg:$0x19]  }
0xec: {  	p0 =	sne.s32 s14, s22  }
.Ltmp1:
0xed: {  	_ = 	snop;
	(pc) =	sbr.rel @p0 .LBB2_1-.Ltmp1, $3  }
0xee: {  	_ =	sdelay $0x1  }
0xef: {  	[sflag:s4] =	ssyncset.done $0x0  }
0xf0: {  	[sflag:s4] =	ssyncadd.s32 $0xFFFF9C00  }
0xf1: {  	_ =	sfence.sel $0x180000  }
0xf2: {  	[bflag:$0x0] =	sbarrier.arrive $0xFFFF  }
0xf3: {  	_ =	strace $0x90000047  }
0xf4: {  	s0 =	stileid.u32;
	[bflag:$0x2] =	sbarrier.arrive $0xFFFF  }
0xf5: {  	p0 =	sne.s32 s0, $0x0;
	s0 =	rddreg [dreg:$0x3]  }
0xf6: {  	s0 =	sadd.s32 @!p0 $0x100000, s0  }
0xf7: {  	[sflag:s0] =	ssyncadd.tile.s32 @!p0 $0x1;
	_ =	shalt  }
.Lfunc_end2:
_tile_overlayer_lowered:
.L_overlay_start_2:
0xf8: {  	(tag) =	ssettag $0x2  }
0xf9: {  	s0 =	rddreg [dreg:$0x0];
	s2 =	stileid.u32  }
0xfa: {  	s1 =	rddreg [dreg:$0x1];
	p0 =	sne.s32 s2, $0x0  }
0xfb: {  	s3 =	rddreg [dreg:$0x2];
	[bflag:$0x3] =	sbarrier.arrive $0xFFFF;
	s2 =	simm.s32 @!p0 $0x1C09  }
0xfc: {  	[timem:s3], [sflag:s2] =	dma.local @!p0 [hbm:s0], s1  }
0xfd: {  	s0 =	simm.s32 @!p0 $0x9  }
0xfe: {  	_ =	swait.ge @!p0 [sflag:s0], s1  }
0xff: {  	s1 =	ssub.s32 @!p0 $0x0, s1;
	[sflag:s0] =	ssyncset.done @!p0 $0x0  }
0x100: {  	[sflag:s0] =	ssyncadd.s32 @!p0 s1  }
0x101: {  	[bflag:$0x3] =	sbarrier.arrive $0xFFFF  }
0x102: {  	_ =	shalt  }

</sc_bundles>
